<compile_context>
chip_gen: v7x
topology: tpu7x:2x2x1
jax: 0.10.2.dev20260603
libtpu: 0.0.44.dev20260713+nightly
codegen_flags: <defaults>
</compile_context>

<pallas_src>
import functools

import jax
import jax.numpy as jnp
from jax import lax
from jax.experimental import pallas as pl
from jax.experimental.pallas import tpu as pltpu
from jax.experimental.pallas import tpu_sc as plsc

VOCAB = 1000000
EMBED_DIM = 64
PAD_DIM = 128
N_TOKENS = 20
BATCH = 1024
SEQ = 200
OUT_ROWS = N_TOKENS + SEQ

NUM_CORES = 2
NUM_WORKERS = 32
ROWS_PER_WORKER = BATCH // NUM_WORKERS

_CHUNK0 = 128
_CHUNK1 = SEQ - _CHUNK0
_NBUF = 4

_mesh = plsc.VectorSubcoreMesh(core_axis_name="c", subcore_axis_name="s")


@functools.partial(
    pl.kernel,
    mesh=_mesh,
    out_type=jax.ShapeDtypeStruct((BATCH, OUT_ROWS, PAD_DIM), jnp.float32),
    scratch_types=[
        pltpu.VMEM((_NBUF, SEQ), jnp.int32),
        pltpu.VMEM((_NBUF, OUT_ROWS, PAD_DIM), jnp.float32),
        pltpu.SemaphoreType.DMA((_NBUF,)),
        pltpu.SemaphoreType.DMA((_NBUF,)),
    ],
)
def _soft_embed(ids_hbm, table_hbm, lemb_hbm, out_hbm, idx_v, bufs, gsem, osem):
    wid = lax.axis_index("s") * NUM_CORES + lax.axis_index("c")
    base = wid * ROWS_PER_WORKER

    def load_ids(i, b):
        pltpu.sync_copy(ids_hbm.at[base + i], idx_v.at[b])

    def start_gathers(b):
        pltpu.async_copy(
            table_hbm.at[idx_v.at[b, pl.ds(0, _CHUNK0)]],
            bufs.at[b, pl.ds(N_TOKENS, _CHUNK0)],
            gsem.at[b],
        )
        pltpu.async_copy(
            table_hbm.at[idx_v.at[b, pl.ds(_CHUNK0, _CHUNK1)]],
            bufs.at[b, pl.ds(N_TOKENS + _CHUNK0, _CHUNK1)],
            gsem.at[b],
        )

    def wait_gathers(b):
        pltpu.make_async_copy(
            table_hbm.at[idx_v.at[b, pl.ds(0, _CHUNK0)]],
            bufs.at[b, pl.ds(N_TOKENS, _CHUNK0)],
            gsem.at[b],
        ).wait()
        pltpu.make_async_copy(
            table_hbm.at[idx_v.at[b, pl.ds(_CHUNK0, _CHUNK1)]],
            bufs.at[b, pl.ds(N_TOKENS + _CHUNK0, _CHUNK1)],
            gsem.at[b],
        ).wait()

    def start_out(i, b):
        pltpu.async_copy(bufs.at[b], out_hbm.at[base + i], osem.at[b])

    def wait_out(i, b):
        pltpu.make_async_copy(bufs.at[b], out_hbm.at[base + i], osem.at[b]).wait()

    for b in range(_NBUF):
        pltpu.sync_copy(lemb_hbm, bufs.at[b, pl.ds(0, N_TOKENS)])
        load_ids(b, b)
        start_gathers(b)

    _T = ROWS_PER_WORKER // _NBUF

    def body(t, carry):
        for b in range(_NBUF):
            i = t * _NBUF + b
            wait_gathers(b)
            start_out(i, b)
            wait_out(i, b)
            load_ids(i + _NBUF, b)
            start_gathers(b)
        return carry

    lax.fori_loop(0, _T - 1, body, 0)

    for b in range(_NBUF):
        i = (_T - 1) * _NBUF + b
        wait_gathers(b)
        start_out(i, b)
    for b in range(_NBUF):
        i = (_T - 1) * _NBUF + b
        wait_out(i, b)


def kernel(input_ids, wte_weight, learned_embedding):
    ids = input_ids.astype(jnp.int32)
    table128 = jnp.pad(wte_weight, ((0, 0), (0, PAD_DIM - EMBED_DIM)), mode="empty")
    lemb128 = jnp.pad(learned_embedding, ((0, 0), (0, PAD_DIM - EMBED_DIM)))
    big = _soft_embed(ids, table128, lemb128)
    return big[:, :, :EMBED_DIM]

# --- scband reference (transcript-rebuilt; emitter-appended) ---
"""Pipeline reference for scband-soft-embedding-63634235457834 (READ-ONLY COPY).

The authoritative reference and input builder live on the scoring server;
editing this copy changes nothing except your own understanding.
"""

import jax, jax.numpy as jnp
import numpy as np

VOCAB = 1000000
EMBED_DIM = 64
N_TOKENS = 20
BATCH = 1024
SEQ = 200

def setup_inputs(seed: int = 0) -> dict:
    key = jax.random.key(seed)
    k_table, k_ids = jax.random.split(key)
    # wte weight table (nn.Embedding default init ~ N(0,1))
    wte_weight = jax.random.normal(k_table, (VOCAB, EMBED_DIM), dtype=jnp.float32)
    # initialize_from_vocab=True -> learned_embedding = wte.weight[:n_tokens].clone()
    learned_embedding = wte_weight[:N_TOKENS]
    input_ids = jax.random.randint(k_ids, (BATCH, SEQ), 0, VOCAB, dtype=jnp.int64)
    return {"input_ids": input_ids, "wte_weight": wte_weight, "learned_embedding": learned_embedding}

def reference(input_ids, wte_weight, learned_embedding):
    # input_embeddings = self.wte(input_ids)
    input_embeddings = jnp.take(wte_weight, input_ids, axis=0)  # [B, S, D]
    batch_size = input_embeddings.shape[0]
    # learned_embeddings = self.learned_embedding.repeat(batch_size, 1, 1)
    learned_embeddings = jnp.broadcast_to(learned_embedding[None, :, :], (batch_size, learned_embedding.shape[0], learned_embedding.shape[1]))
    return jnp.concatenate([learned_embeddings, input_embeddings], axis=1)  # [B, n_tokens+S, D]

if __name__ == "__main__":
    import jax
    _d = setup_inputs()
    print(jax.jit(kernel)(*tuple(_d.values())))

</pallas_src>

<mosaic_0001>
#map = affine_map<(d0, d1) -> (0, 0)>
#map1 = affine_map<(d0, d1) -> (0, 0, 0)>
module attributes {stable_mosaic.version = 14 : i64} {
  func.func @_soft_embed(%arg0: i32, %arg1: i32, %arg2: memref<1024x200xi32, #tpu.memory_space<hbm>>, %arg3: memref<1000000x128xf32, #tpu.memory_space<hbm>>, %arg4: memref<20x128xf32, #tpu.memory_space<hbm>>, %arg5: memref<1024x220x128xf32, #tpu.memory_space<hbm>>, %arg6: memref<4x200xi32, #tpu.memory_space<vmem>>, %arg7: memref<4x220x128xf32, #tpu.memory_space<vmem>>, %arg8: memref<4x!tpu.dma_semaphore, #tpu.memory_space<semaphore_mem>>, %arg9: memref<4x!tpu.dma_semaphore, #tpu.memory_space<semaphore_mem>>) attributes {dimension_semantics = [#tpu.dimension_semantics<core_parallel>, #tpu.dimension_semantics<subcore_parallel>], iteration_bounds = array<i64: 2, 16>, scalar_prefetch = 0 : i64, scratch_operands = 4 : i64, tpu.core_type = #tpu.core_type<sc_vector_subcore>, window_params = [{transform_indices = #map}, {transform_indices = #map}, {transform_indices = #map}, {transform_indices = #map1}]} {
    %mul3A = arith.constant 2 : i32
    %mul3A_0 = arith.muli %arg1, %mul3A : i32
    %add3A = arith.addi %mul3A_0, %arg0 : i32
    %mul3A_1 = arith.constant 32 : i32
    %mul3A_2 = arith.muli %add3A, %mul3A_1 : i32
    %run_scoped3A = arith.constant 0 : i32
    "tpu.region"() ({
      %run_scoped3A_437 = tpu.sem_alloc : memref<!tpu.dma_semaphore, #tpu.memory_space<semaphore_mem>>
      %dma_start3A_438 = arith.constant 0 : i32
      %dma_start3A_439 = arith.constant 0 : i32
      %dma_start3A_440 = tpu.memref_slice %arg7[%run_scoped3A, %dma_start3A_438, %dma_start3A_439] : memref<4x220x128xf32, #tpu.memory_space<vmem>> -> memref<1x20x128xf32, #tpu.memory_space<vmem>>
      %dma_start3A_441 = tpu.memref_squeeze %dma_start3A_440 : memref<1x20x128xf32, #tpu.memory_space<vmem>> -> memref<20x128xf32, #tpu.memory_space<vmem>>
      %dma_start3A_442 = arith.constant 0 : i32
      %dma_start3A_443 = arith.constant 0 : i32
      %dma_start3A_444 = tpu.memref_slice %arg7[%run_scoped3A, %dma_start3A_442, %dma_start3A_443] : memref<4x220x128xf32, #tpu.memory_space<vmem>> -> memref<1x20x128xf32, #tpu.memory_space<vmem>>
      %dma_start3A_445 = tpu.memref_squeeze %dma_start3A_444 : memref<1x20x128xf32, #tpu.memory_space<vmem>> -> memref<20x128xf32, #tpu.memory_space<vmem>>
      tpu.enqueue_dma source(%arg4 : memref<20x128xf32, #tpu.memory_space<hbm>>) target(%dma_start3A_445 : memref<20x128xf32, #tpu.memory_space<vmem>>) target_semaphore(%run_scoped3A_437 : memref<!tpu.dma_semaphore, #tpu.memory_space<semaphore_mem>>)
      %dma_wait3A_446 = arith.constant 0 : i32
      %dma_wait3A_447 = arith.constant 0 : i32
      %dma_wait3A_448 = tpu.memref_slice %arg7[%run_scoped3A, %dma_wait3A_446, %dma_wait3A_447] : memref<4x220x128xf32, #tpu.memory_space<vmem>> -> memref<1x20x128xf32, #tpu.memory_space<vmem>>
      %dma_wait3A_449 = tpu.memref_squeeze %dma_wait3A_448 : memref<1x20x128xf32, #tpu.memory_space<vmem>> -> memref<20x128xf32, #tpu.memory_space<vmem>>
      %dma_wait3A_450 = arith.constant 0 : i32
      %dma_wait3A_451 = arith.constant 0 : i32
      %dma_wait3A_452 = tpu.memref_slice %arg7[%run_scoped3A, %dma_wait3A_450, %dma_wait3A_451] : memref<4x220x128xf32, #tpu.memory_space<vmem>> -> memref<1x20x128xf32, #tpu.memory_space<vmem>>
      %dma_wait3A_453 = tpu.memref_squeeze %dma_wait3A_452 : memref<1x20x128xf32, #tpu.memory_space<vmem>> -> memref<20x128xf32, #tpu.memory_space<vmem>>
      tpu.wait_dma2 semaphore(%run_scoped3A_437 : memref<!tpu.dma_semaphore, #tpu.memory_space<semaphore_mem>>) src(%arg4 : memref<20x128xf32, #tpu.memory_space<hbm>>) dst(%dma_wait3A_453 : memref<20x128xf32, #tpu.memory_space<vmem>>)
      tpu.yield
    }) : () -> ()
    %add3A_3 = arith.constant 0 : i32
    %add3A_4 = arith.addi %mul3A_2, %add3A_3 : i32
    %run_scoped3A_5 = arith.constant 0 : i32
    "tpu.region"() ({
      %run_scoped3A_437 = tpu.sem_alloc : memref<!tpu.dma_semaphore, #tpu.memory_space<semaphore_mem>>
      %dma_start3A_438 = arith.constant 0 : i32
      %dma_start3A_439 = tpu.memref_slice %arg6[%run_scoped3A_5, %dma_start3A_438] : memref<4x200xi32, #tpu.memory_space<vmem>> -> memref<1x200xi32, #tpu.memory_space<vmem>>
      %dma_start3A_440 = tpu.memref_squeeze %dma_start3A_439 : memref<1x200xi32, #tpu.memory_space<vmem>> -> memref<200xi32, #tpu.memory_space<vmem>>
      %dma_start3A_441 = arith.constant 0 : i32
      %dma_start3A_442 = tpu.memref_slice %arg2[%add3A_4, %dma_start3A_441] : memref<1024x200xi32, #tpu.memory_space<hbm>> -> memref<1x200xi32, #tpu.memory_space<hbm>>
      %dma_start3A_443 = tpu.memref_squeeze %dma_start3A_442 : memref<1x200xi32, #tpu.memory_space<hbm>> -> memref<200xi32, #tpu.memory_space<hbm>>
      %dma_start3A_444 = arith.constant 0 : i32
      %dma_start3A_445 = tpu.memref_slice %arg6[%run_scoped3A_5, %dma_start3A_444] : memref<4x200xi32, #tpu.memory_space<vmem>> -> memref<1x200xi32, #tpu.memory_space<vmem>>
      %dma_start3A_446 = tpu.memref_squeeze %dma_start3A_445 : memref<1x200xi32, #tpu.memory_space<vmem>> -> memref<200xi32, #tpu.memory_space<vmem>>
      %dma_start3A_447 = arith.constant 0 : i32
      %dma_start3A_448 = tpu.memref_slice %arg2[%add3A_4, %dma_start3A_447] : memref<1024x200xi32, #tpu.memory_space<hbm>> -> memref<1x200xi32, #tpu.memory_space<hbm>>
      %dma_start3A_449 = tpu.memref_squeeze %dma_start3A_448 : memref<1x200xi32, #tpu.memory_space<hbm>> -> memref<200xi32, #tpu.memory_space<hbm>>
      tpu.enqueue_dma source(%dma_start3A_449 : memref<200xi32, #tpu.memory_space<hbm>>) target(%dma_start3A_446 : memref<200xi32, #tpu.memory_space<vmem>>) target_semaphore(%run_scoped3A_437 : memref<!tpu.dma_semaphore, #tpu.memory_space<semaphore_mem>>)
      %dma_wait3A_450 = arith.constant 0 : i32
      %dma_wait3A_451 = tpu.memref_slice %arg6[%run_scoped3A_5, %dma_wait3A_450] : memref<4x200xi32, #tpu.memory_space<vmem>> -> memref<1x200xi32, #tpu.memory_space<vmem>>
      %dma_wait3A_452 = tpu.memref_squeeze %dma_wait3A_451 : memref<1x200xi32, #tpu.memory_space<vmem>> -> memref<200xi32, #tpu.memory_space<vmem>>
      %dma_wait3A_453 = arith.constant 0 : i32
      %dma_wait3A_454 = tpu.memref_slice %arg2[%add3A_4, %dma_wait3A_453] : memref<1024x200xi32, #tpu.memory_space<hbm>> -> memref<1x200xi32, #tpu.memory_space<hbm>>
      %dma_wait3A_455 = tpu.memref_squeeze %dma_wait3A_454 : memref<1x200xi32, #tpu.memory_space<hbm>> -> memref<200xi32, #tpu.memory_space<hbm>>
      %dma_wait3A_456 = arith.constant 0 : i32
      %dma_wait3A_457 = tpu.memref_slice %arg6[%run_scoped3A_5, %dma_wait3A_456] : memref<4x200xi32, #tpu.memory_space<vmem>> -> memref<1x200xi32, #tpu.memory_space<vmem>>
      %dma_wait3A_458 = tpu.memref_squeeze %dma_wait3A_457 : memref<1x200xi32, #tpu.memory_space<vmem>> -> memref<200xi32, #tpu.memory_space<vmem>>
      %dma_wait3A_459 = arith.constant 0 : i32
      %dma_wait3A_460 = tpu.memref_slice %arg2[%add3A_4, %dma_wait3A_459] : memref<1024x200xi32, #tpu.memory_space<hbm>> -> memref<1x200xi32, #tpu.memory_space<hbm>>
      %dma_wait3A_461 = tpu.memref_squeeze %dma_wait3A_460 : memref<1x200xi32, #tpu.memory_space<hbm>> -> memref<200xi32, #tpu.memory_space<hbm>>
      tpu.wait_dma2 semaphore(%run_scoped3A_437 : memref<!tpu.dma_semaphore, #tpu.memory_space<semaphore_mem>>) src(%dma_wait3A_461 : memref<200xi32, #tpu.memory_space<hbm>>) dst(%dma_wait3A_458 : memref<200xi32, #tpu.memory_space<vmem>>)
      tpu.yield
    }) : () -> ()
    %dma_start3A = arith.constant 0 : i32
    %dma_start3A_6 = arith.constant 0 : i32
    %dma_start3A_7 = arith.constant 0 : i32
    %dma_start3A_8 = arith.constant 20 : i32
    %dma_start3A_9 = arith.constant 0 : i32
    %dma_start3A_10 = tpu.memref_slice %arg7[%dma_start3A_6, %dma_start3A_8, %dma_start3A_9] : memref<4x220x128xf32, #tpu.memory_space<vmem>> -> memref<1x128x128xf32, #tpu.memory_space<vmem>>
    %dma_start3A_11 = tpu.memref_squeeze %dma_start3A_10 : memref<1x128x128xf32, #tpu.memory_space<vmem>> -> memref<128x128xf32, #tpu.memory_space<vmem>>
    %dma_start3A_12 = arith.constant 0 : i32
    %dma_start3A_13 = tpu.memref_slice %arg6[%dma_start3A, %dma_start3A_12] : memref<4x200xi32, #tpu.memory_space<vmem>> -> memref<1x128xi32, #tpu.memory_space<vmem>>
    %dma_start3A_14 = tpu.memref_squeeze %dma_start3A_13 : memref<1x128xi32, #tpu.memory_space<vmem>> -> memref<128xi32, #tpu.memory_space<vmem>>
    %dma_start3A_15 = arith.constant 0 : i32
    %dma_start3A_16 = arith.constant 0 : i32
    %dma_start3A_17 = tpu.memref_slice %arg3[%dma_start3A_15, %dma_start3A_16] : memref<1000000x128xf32, #tpu.memory_space<hbm>> -> memref<1000000x128xf32, #tpu.memory_space<hbm>>
    %dma_start3A_18 = tpu.memref_slice %arg8[%dma_start3A_7] : memref<4x!tpu.dma_semaphore, #tpu.memory_space<semaphore_mem>> -> memref<1x!tpu.dma_semaphore, #tpu.memory_space<semaphore_mem>>
    %dma_start3A_19 = tpu.memref_squeeze %dma_start3A_18 : memref<1x!tpu.dma_semaphore, #tpu.memory_space<semaphore_mem>> -> memref<!tpu.dma_semaphore, #tpu.memory_space<semaphore_mem>>
    tpu.enqueue_indirect_dma source(%dma_start3A_17 : memref<1000000x128xf32, #tpu.memory_space<hbm>>) target(%dma_start3A_11 : memref<128x128xf32, #tpu.memory_space<vmem>>) offsets(%dma_start3A_14 : memref<128xi32, #tpu.memory_space<vmem>>) semaphore(%dma_start3A_19 : memref<!tpu.dma_semaphore, #tpu.memory_space<semaphore_mem>>)
    %dma_start3A_20 = arith.constant 0 : i32
    %dma_start3A_21 = arith.constant 0 : i32
    %dma_start3A_22 = arith.constant 0 : i32
    %dma_start3A_23 = arith.constant 148 : i32
    %dma_start3A_24 = arith.constant 0 : i32
    %dma_start3A_25 = tpu.memref_slice %arg7[%dma_start3A_21, %dma_start3A_23, %dma_start3A_24] : memref<4x220x128xf32, #tpu.memory_space<vmem>> -> memref<1x72x128xf32, #tpu.memory_space<vmem>>
    %dma_start3A_26 = tpu.memref_squeeze %dma_start3A_25 : memref<1x72x128xf32, #tpu.memory_space<vmem>> -> memref<72x128xf32, #tpu.memory_space<vmem>>
    %dma_start3A_27 = arith.constant 128 : i32
    %dma_start3A_28 = tpu.memref_slice %arg6[%dma_start3A_20, %dma_start3A_27] : memref<4x200xi32, #tpu.memory_space<vmem>> -> memref<1x72xi32, #tpu.memory_space<vmem>>
    %dma_start3A_29 = tpu.memref_squeeze %dma_start3A_28 : memref<1x72xi32, #tpu.memory_space<vmem>> -> memref<72xi32, #tpu.memory_space<vmem>>
    %dma_start3A_30 = arith.constant 0 : i32
    %dma_start3A_31 = arith.constant 0 : i32
    %dma_start3A_32 = tpu.memref_slice %arg3[%dma_start3A_30, %dma_start3A_31] : memref<1000000x128xf32, #tpu.memory_space<hbm>> -> memref<1000000x128xf32, #tpu.memory_space<hbm>>
    %dma_start3A_33 = tpu.memref_slice %arg8[%dma_start3A_22] : memref<4x!tpu.dma_semaphore, #tpu.memory_space<semaphore_mem>> -> memref<1x!tpu.dma_semaphore, #tpu.memory_space<semaphore_mem>>
    %dma_start3A_34 = tpu.memref_squeeze %dma_start3A_33 : memref<1x!tpu.dma_semaphore, #tpu.memory_space<semaphore_mem>> -> memref<!tpu.dma_semaphore, #tpu.memory_space<semaphore_mem>>
    tpu.enqueue_indirect_dma source(%dma_start3A_32 : memref<1000000x128xf32, #tpu.memory_space<hbm>>) target(%dma_start3A_26 : memref<72x128xf32, #tpu.memory_space<vmem>>) offsets(%dma_start3A_29 : memref<72xi32, #tpu.memory_space<vmem>>) semaphore(%dma_start3A_34 : memref<!tpu.dma_semaphore, #tpu.memory_space<semaphore_mem>>)
    %run_scoped3A_35 = arith.constant 1 : i32
    "tpu.region"() ({
      %run_scoped3A_437 = tpu.sem_alloc : memref<!tpu.dma_semaphore, #tpu.memory_space<semaphore_mem>>
      %dma_start3A_438 = arith.constant 0 : i32
      %dma_start3A_439 = arith.constant 0 : i32
      %dma_start3A_440 = tpu.memref_slice %arg7[%run_scoped3A_35, %dma_start3A_438, %dma_start3A_439] : memref<4x220x128xf32, #tpu.memory_space<vmem>> -> memref<1x20x128xf32, #tpu.memory_space<vmem>>
      %dma_start3A_441 = tpu.memref_squeeze %dma_start3A_440 : memref<1x20x128xf32, #tpu.memory_space<vmem>> -> memref<20x128xf32, #tpu.memory_space<vmem>>
      %dma_start3A_442 = arith.constant 0 : i32
      %dma_start3A_443 = arith.constant 0 : i32
      %dma_start3A_444 = tpu.memref_slice %arg7[%run_scoped3A_35, %dma_start3A_442, %dma_start3A_443] : memref<4x220x128xf32, #tpu.memory_space<vmem>> -> memref<1x20x128xf32, #tpu.memory_space<vmem>>
      %dma_start3A_445 = tpu.memref_squeeze %dma_start3A_444 : memref<1x20x128xf32, #tpu.memory_space<vmem>> -> memref<20x128xf32, #tpu.memory_space<vmem>>
      tpu.enqueue_dma source(%arg4 : memref<20x128xf32, #tpu.memory_space<hbm>>) target(%dma_start3A_445 : memref<20x128xf32, #tpu.memory_space<vmem>>) target_semaphore(%run_scoped3A_437 : memref<!tpu.dma_semaphore, #tpu.memory_space<semaphore_mem>>)
      %dma_wait3A_446 = arith.constant 0 : i32
      %dma_wait3A_447 = arith.constant 0 : i32
      %dma_wait3A_448 = tpu.memref_slice %arg7[%run_scoped3A_35, %dma_wait3A_446, %dma_wait3A_447] : memref<4x220x128xf32, #tpu.memory_space<vmem>> -> memref<1x20x128xf32, #tpu.memory_space<vmem>>
      %dma_wait3A_449 = tpu.memref_squeeze %dma_wait3A_448 : memref<1x20x128xf32, #tpu.memory_space<vmem>> -> memref<20x128xf32, #tpu.memory_space<vmem>>
      %dma_wait3A_450 = arith.constant 0 : i32
      %dma_wait3A_451 = arith.constant 0 : i32
      %dma_wait3A_452 = tpu.memref_slice %arg7[%run_scoped3A_35, %dma_wait3A_450, %dma_wait3A_451] : memref<4x220x128xf32, #tpu.memory_space<vmem>> -> memref<1x20x128xf32, #tpu.memory_space<vmem>>
      %dma_wait3A_453 = tpu.memref_squeeze %dma_wait3A_452 : memref<1x20x128xf32, #tpu.memory_space<vmem>> -> memref<20x128xf32, #tpu.memory_space<vmem>>
      tpu.wait_dma2 semaphore(%run_scoped3A_437 : memref<!tpu.dma_semaphore, #tpu.memory_space<semaphore_mem>>) src(%arg4 : memref<20x128xf32, #tpu.memory_space<hbm>>) dst(%dma_wait3A_453 : memref<20x128xf32, #tpu.memory_space<vmem>>)
      tpu.yield
    }) : () -> ()
    %add3A_36 = arith.constant 1 : i32
    %add3A_37 = arith.addi %mul3A_2, %add3A_36 : i32
    %run_scoped3A_38 = arith.constant 1 : i32
    "tpu.region"() ({
      %run_scoped3A_437 = tpu.sem_alloc : memref<!tpu.dma_semaphore, #tpu.memory_space<semaphore_mem>>
      %dma_start3A_438 = arith.constant 0 : i32
      %dma_start3A_439 = tpu.memref_slice %arg6[%run_scoped3A_38, %dma_start3A_438] : memref<4x200xi32, #tpu.memory_space<vmem>> -> memref<1x200xi32, #tpu.memory_space<vmem>>
      %dma_start3A_440 = tpu.memref_squeeze %dma_start3A_439 : memref<1x200xi32, #tpu.memory_space<vmem>> -> memref<200xi32, #tpu.memory_space<vmem>>
      %dma_start3A_441 = arith.constant 0 : i32
      %dma_start3A_442 = tpu.memref_slice %arg2[%add3A_37, %dma_start3A_441] : memref<1024x200xi32, #tpu.memory_space<hbm>> -> memref<1x200xi32, #tpu.memory_space<hbm>>
      %dma_start3A_443 = tpu.memref_squeeze %dma_start3A_442 : memref<1x200xi32, #tpu.memory_space<hbm>> -> memref<200xi32, #tpu.memory_space<hbm>>
      %dma_start3A_444 = arith.constant 0 : i32
      %dma_start3A_445 = tpu.memref_slice %arg6[%run_scoped3A_38, %dma_start3A_444] : memref<4x200xi32, #tpu.memory_space<vmem>> -> memref<1x200xi32, #tpu.memory_space<vmem>>
      %dma_start3A_446 = tpu.memref_squeeze %dma_start3A_445 : memref<1x200xi32, #tpu.memory_space<vmem>> -> memref<200xi32, #tpu.memory_space<vmem>>
      %dma_start3A_447 = arith.constant 0 : i32
      %dma_start3A_448 = tpu.memref_slice %arg2[%add3A_37, %dma_start3A_447] : memref<1024x200xi32, #tpu.memory_space<hbm>> -> memref<1x200xi32, #tpu.memory_space<hbm>>
      %dma_start3A_449 = tpu.memref_squeeze %dma_start3A_448 : memref<1x200xi32, #tpu.memory_space<hbm>> -> memref<200xi32, #tpu.memory_space<hbm>>
      tpu.enqueue_dma source(%dma_start3A_449 : memref<200xi32, #tpu.memory_space<hbm>>) target(%dma_start3A_446 : memref<200xi32, #tpu.memory_space<vmem>>) target_semaphore(%run_scoped3A_437 : memref<!tpu.dma_semaphore, #tpu.memory_space<semaphore_mem>>)
      %dma_wait3A_450 = arith.constant 0 : i32
      %dma_wait3A_451 = tpu.memref_slice %arg6[%run_scoped3A_38, %dma_wait3A_450] : memref<4x200xi32, #tpu.memory_space<vmem>> -> memref<1x200xi32, #tpu.memory_space<vmem>>
      %dma_wait3A_452 = tpu.memref_squeeze %dma_wait3A_451 : memref<1x200xi32, #tpu.memory_space<vmem>> -> memref<200xi32, #tpu.memory_space<vmem>>
      %dma_wait3A_453 = arith.constant 0 : i32
      %dma_wait3A_454 = tpu.memref_slice %arg2[%add3A_37, %dma_wait3A_453] : memref<1024x200xi32, #tpu.memory_space<hbm>> -> memref<1x200xi32, #tpu.memory_space<hbm>>
      %dma_wait3A_455 = tpu.memref_squeeze %dma_wait3A_454 : memref<1x200xi32, #tpu.memory_space<hbm>> -> memref<200xi32, #tpu.memory_space<hbm>>
      %dma_wait3A_456 = arith.constant 0 : i32
      %dma_wait3A_457 = tpu.memref_slice %arg6[%run_scoped3A_38, %dma_wait3A_456] : memref<4x200xi32, #tpu.memory_space<vmem>> -> memref<1x200xi32, #tpu.memory_space<vmem>>
      %dma_wait3A_458 = tpu.memref_squeeze %dma_wait3A_457 : memref<1x200xi32, #tpu.memory_space<vmem>> -> memref<200xi32, #tpu.memory_space<vmem>>
      %dma_wait3A_459 = arith.constant 0 : i32
      %dma_wait3A_460 = tpu.memref_slice %arg2[%add3A_37, %dma_wait3A_459] : memref<1024x200xi32, #tpu.memory_space<hbm>> -> memref<1x200xi32, #tpu.memory_space<hbm>>
      %dma_wait3A_461 = tpu.memref_squeeze %dma_wait3A_460 : memref<1x200xi32, #tpu.memory_space<hbm>> -> memref<200xi32, #tpu.memory_space<hbm>>
      tpu.wait_dma2 semaphore(%run_scoped3A_437 : memref<!tpu.dma_semaphore, #tpu.memory_space<semaphore_mem>>) src(%dma_wait3A_461 : memref<200xi32, #tpu.memory_space<hbm>>) dst(%dma_wait3A_458 : memref<200xi32, #tpu.memory_space<vmem>>)
      tpu.yield
    }) : () -> ()
    %dma_start3A_39 = arith.constant 1 : i32
    %dma_start3A_40 = arith.constant 1 : i32
    %dma_start3A_41 = arith.constant 1 : i32
    %dma_start3A_42 = arith.constant 20 : i32
    %dma_start3A_43 = arith.constant 0 : i32
    %dma_start3A_44 = tpu.memref_slice %arg7[%dma_start3A_40, %dma_start3A_42, %dma_start3A_43] : memref<4x220x128xf32, #tpu.memory_space<vmem>> -> memref<1x128x128xf32, #tpu.memory_space<vmem>>
    %dma_start3A_45 = tpu.memref_squeeze %dma_start3A_44 : memref<1x128x128xf32, #tpu.memory_space<vmem>> -> memref<128x128xf32, #tpu.memory_space<vmem>>
    %dma_start3A_46 = arith.constant 0 : i32
    %dma_start3A_47 = tpu.memref_slice %arg6[%dma_start3A_39, %dma_start3A_46] : memref<4x200xi32, #tpu.memory_space<vmem>> -> memref<1x128xi32, #tpu.memory_space<vmem>>
    %dma_start3A_48 = tpu.memref_squeeze %dma_start3A_47 : memref<1x128xi32, #tpu.memory_space<vmem>> -> memref<128xi32, #tpu.memory_space<vmem>>
    %dma_start3A_49 = arith.constant 0 : i32
    %dma_start3A_50 = arith.constant 0 : i32
    %dma_start3A_51 = tpu.memref_slice %arg3[%dma_start3A_49, %dma_start3A_50] : memref<1000000x128xf32, #tpu.memory_space<hbm>> -> memref<1000000x128xf32, #tpu.memory_space<hbm>>
    %dma_start3A_52 = tpu.memref_slice %arg8[%dma_start3A_41] : memref<4x!tpu.dma_semaphore, #tpu.memory_space<semaphore_mem>> -> memref<1x!tpu.dma_semaphore, #tpu.memory_space<semaphore_mem>>
    %dma_start3A_53 = tpu.memref_squeeze %dma_start3A_52 : memref<1x!tpu.dma_semaphore, #tpu.memory_space<semaphore_mem>> -> memref<!tpu.dma_semaphore, #tpu.memory_space<semaphore_mem>>
    tpu.enqueue_indirect_dma source(%dma_start3A_51 : memref<1000000x128xf32, #tpu.memory_space<hbm>>) target(%dma_start3A_45 : memref<128x128xf32, #tpu.memory_space<vmem>>) offsets(%dma_start3A_48 : memref<128xi32, #tpu.memory_space<vmem>>) semaphore(%dma_start3A_53 : memref<!tpu.dma_semaphore, #tpu.memory_space<semaphore_mem>>)
    %dma_start3A_54 = arith.constant 1 : i32
    %dma_start3A_55 = arith.constant 1 : i32
    %dma_start3A_56 = arith.constant 1 : i32
    %dma_start3A_57 = arith.constant 148 : i32
    %dma_start3A_58 = arith.constant 0 : i32
    %dma_start3A_59 = tpu.memref_slice %arg7[%dma_start3A_55, %dma_start3A_57, %dma_start3A_58] : memref<4x220x128xf32, #tpu.memory_space<vmem>> -> memref<1x72x128xf32, #tpu.memory_space<vmem>>
    %dma_start3A_60 = tpu.memref_squeeze %dma_start3A_59 : memref<1x72x128xf32, #tpu.memory_space<vmem>> -> memref<72x128xf32, #tpu.memory_space<vmem>>
    %dma_start3A_61 = arith.constant 128 : i32
    %dma_start3A_62 = tpu.memref_slice %arg6[%dma_start3A_54, %dma_start3A_61] : memref<4x200xi32, #tpu.memory_space<vmem>> -> memref<1x72xi32, #tpu.memory_space<vmem>>
    %dma_start3A_63 = tpu.memref_squeeze %dma_start3A_62 : memref<1x72xi32, #tpu.memory_space<vmem>> -> memref<72xi32, #tpu.memory_space<vmem>>
    %dma_start3A_64 = arith.constant 0 : i32
    %dma_start3A_65 = arith.constant 0 : i32
    %dma_start3A_66 = tpu.memref_slice %arg3[%dma_start3A_64, %dma_start3A_65] : memref<1000000x128xf32, #tpu.memory_space<hbm>> -> memref<1000000x128xf32, #tpu.memory_space<hbm>>
    %dma_start3A_67 = tpu.memref_slice %arg8[%dma_start3A_56] : memref<4x!tpu.dma_semaphore, #tpu.memory_space<semaphore_mem>> -> memref<1x!tpu.dma_semaphore, #tpu.memory_space<semaphore_mem>>
    %dma_start3A_68 = tpu.memref_squeeze %dma_start3A_67 : memref<1x!tpu.dma_semaphore, #tpu.memory_space<semaphore_mem>> -> memref<!tpu.dma_semaphore, #tpu.memory_space<semaphore_mem>>
    tpu.enqueue_indirect_dma source(%dma_start3A_66 : memref<1000000x128xf32, #tpu.memory_space<hbm>>) target(%dma_start3A_60 : memref<72x128xf32, #tpu.memory_space<vmem>>) offsets(%dma_start3A_63 : memref<72xi32, #tpu.memory_space<vmem>>) semaphore(%dma_start3A_68 : memref<!tpu.dma_semaphore, #tpu.memory_space<semaphore_mem>>)
    %run_scoped3A_69 = arith.constant 2 : i32
    "tpu.region"() ({
      %run_scoped3A_437 = tpu.sem_alloc : memref<!tpu.dma_semaphore, #tpu.memory_space<semaphore_mem>>
      %dma_start3A_438 = arith.constant 0 : i32
      %dma_start3A_439 = arith.constant 0 : i32
      %dma_start3A_440 = tpu.memref_slice %arg7[%run_scoped3A_69, %dma_start3A_438, %dma_start3A_439] : memref<4x220x128xf32, #tpu.memory_space<vmem>> -> memref<1x20x128xf32, #tpu.memory_space<vmem>>
      %dma_start3A_441 = tpu.memref_squeeze %dma_start3A_440 : memref<1x20x128xf32, #tpu.memory_space<vmem>> -> memref<20x128xf32, #tpu.memory_space<vmem>>
      %dma_start3A_442 = arith.constant 0 : i32
      %dma_start3A_443 = arith.constant 0 : i32
      %dma_start3A_444 = tpu.memref_slice %arg7[%run_scoped3A_69, %dma_start3A_442, %dma_start3A_443] : memref<4x220x128xf32, #tpu.memory_space<vmem>> -> memref<1x20x128xf32, #tpu.memory_space<vmem>>
      %dma_start3A_445 = tpu.memref_squeeze %dma_start3A_444 : memref<1x20x128xf32, #tpu.memory_space<vmem>> -> memref<20x128xf32, #tpu.memory_space<vmem>>
      tpu.enqueue_dma source(%arg4 : memref<20x128xf32, #tpu.memory_space<hbm>>) target(%dma_start3A_445 : memref<20x128xf32, #tpu.memory_space<vmem>>) target_semaphore(%run_scoped3A_437 : memref<!tpu.dma_semaphore, #tpu.memory_space<semaphore_mem>>)
      %dma_wait3A_446 = arith.constant 0 : i32
      %dma_wait3A_447 = arith.constant 0 : i32
      %dma_wait3A_448 = tpu.memref_slice %arg7[%run_scoped3A_69, %dma_wait3A_446, %dma_wait3A_447] : memref<4x220x128xf32, #tpu.memory_space<vmem>> -> memref<1x20x128xf32, #tpu.memory_space<vmem>>
      %dma_wait3A_449 = tpu.memref_squeeze %dma_wait3A_448 : memref<1x20x128xf32, #tpu.memory_space<vmem>> -> memref<20x128xf32, #tpu.memory_space<vmem>>
      %dma_wait3A_450 = arith.constant 0 : i32
      %dma_wait3A_451 = arith.constant 0 : i32
      %dma_wait3A_452 = tpu.memref_slice %arg7[%run_scoped3A_69, %dma_wait3A_450, %dma_wait3A_451] : memref<4x220x128xf32, #tpu.memory_space<vmem>> -> memref<1x20x128xf32, #tpu.memory_space<vmem>>
      %dma_wait3A_453 = tpu.memref_squeeze %dma_wait3A_452 : memref<1x20x128xf32, #tpu.memory_space<vmem>> -> memref<20x128xf32, #tpu.memory_space<vmem>>
      tpu.wait_dma2 semaphore(%run_scoped3A_437 : memref<!tpu.dma_semaphore, #tpu.memory_space<semaphore_mem>>) src(%arg4 : memref<20x128xf32, #tpu.memory_space<hbm>>) dst(%dma_wait3A_453 : memref<20x128xf32, #tpu.memory_space<vmem>>)
      tpu.yield
    }) : () -> ()
    %add3A_70 = arith.constant 2 : i32
    %add3A_71 = arith.addi %mul3A_2, %add3A_70 : i32
    %run_scoped3A_72 = arith.constant 2 : i32
    "tpu.region"() ({
      %run_scoped3A_437 = tpu.sem_alloc : memref<!tpu.dma_semaphore, #tpu.memory_space<semaphore_mem>>
      %dma_start3A_438 = arith.constant 0 : i32
      %dma_start3A_439 = tpu.memref_slice %arg6[%run_scoped3A_72, %dma_start3A_438] : memref<4x200xi32, #tpu.memory_space<vmem>> -> memref<1x200xi32, #tpu.memory_space<vmem>>
      %dma_start3A_440 = tpu.memref_squeeze %dma_start3A_439 : memref<1x200xi32, #tpu.memory_space<vmem>> -> memref<200xi32, #tpu.memory_space<vmem>>
      %dma_start3A_441 = arith.constant 0 : i32
      %dma_start3A_442 = tpu.memref_slice %arg2[%add3A_71, %dma_start3A_441] : memref<1024x200xi32, #tpu.memory_space<hbm>> -> memref<1x200xi32, #tpu.memory_space<hbm>>
      %dma_start3A_443 = tpu.memref_squeeze %dma_start3A_442 : memref<1x200xi32, #tpu.memory_space<hbm>> -> memref<200xi32, #tpu.memory_space<hbm>>
      %dma_start3A_444 = arith.constant 0 : i32
      %dma_start3A_445 = tpu.memref_slice %arg6[%run_scoped3A_72, %dma_start3A_444] : memref<4x200xi32, #tpu.memory_space<vmem>> -> memref<1x200xi32, #tpu.memory_space<vmem>>
      %dma_start3A_446 = tpu.memref_squeeze %dma_start3A_445 : memref<1x200xi32, #tpu.memory_space<vmem>> -> memref<200xi32, #tpu.memory_space<vmem>>
      %dma_start3A_447 = arith.constant 0 : i32
      %dma_start3A_448 = tpu.memref_slice %arg2[%add3A_71, %dma_start3A_447] : memref<1024x200xi32, #tpu.memory_space<hbm>> -> memref<1x200xi32, #tpu.memory_space<hbm>>
      %dma_start3A_449 = tpu.memref_squeeze %dma_start3A_448 : memref<1x200xi32, #tpu.memory_space<hbm>> -> memref<200xi32, #tpu.memory_space<hbm>>
      tpu.enqueue_dma source(%dma_start3A_449 : memref<200xi32, #tpu.memory_space<hbm>>) target(%dma_start3A_446 : memref<200xi32, #tpu.memory_space<vmem>>) target_semaphore(%run_scoped3A_437 : memref<!tpu.dma_semaphore, #tpu.memory_space<semaphore_mem>>)
      %dma_wait3A_450 = arith.constant 0 : i32
      %dma_wait3A_451 = tpu.memref_slice %arg6[%run_scoped3A_72, %dma_wait3A_450] : memref<4x200xi32, #tpu.memory_space<vmem>> -> memref<1x200xi32, #tpu.memory_space<vmem>>
      %dma_wait3A_452 = tpu.memref_squeeze %dma_wait3A_451 : memref<1x200xi32, #tpu.memory_space<vmem>> -> memref<200xi32, #tpu.memory_space<vmem>>
      %dma_wait3A_453 = arith.constant 0 : i32
      %dma_wait3A_454 = tpu.memref_slice %arg2[%add3A_71, %dma_wait3A_453] : memref<1024x200xi32, #tpu.memory_space<hbm>> -> memref<1x200xi32, #tpu.memory_space<hbm>>
      %dma_wait3A_455 = tpu.memref_squeeze %dma_wait3A_454 : memref<1x200xi32, #tpu.memory_space<hbm>> -> memref<200xi32, #tpu.memory_space<hbm>>
      %dma_wait3A_456 = arith.constant 0 : i32
      %dma_wait3A_457 = tpu.memref_slice %arg6[%run_scoped3A_72, %dma_wait3A_456] : memref<4x200xi32, #tpu.memory_space<vmem>> -> memref<1x200xi32, #tpu.memory_space<vmem>>
      %dma_wait3A_458 = tpu.memref_squeeze %dma_wait3A_457 : memref<1x200xi32, #tpu.memory_space<vmem>> -> memref<200xi32, #tpu.memory_space<vmem>>
      %dma_wait3A_459 = arith.constant 0 : i32
      %dma_wait3A_460 = tpu.memref_slice %arg2[%add3A_71, %dma_wait3A_459] : memref<1024x200xi32, #tpu.memory_space<hbm>> -> memref<1x200xi32, #tpu.memory_space<hbm>>
      %dma_wait3A_461 = tpu.memref_squeeze %dma_wait3A_460 : memref<1x200xi32, #tpu.memory_space<hbm>> -> memref<200xi32, #tpu.memory_space<hbm>>
      tpu.wait_dma2 semaphore(%run_scoped3A_437 : memref<!tpu.dma_semaphore, #tpu.memory_space<semaphore_mem>>) src(%dma_wait3A_461 : memref<200xi32, #tpu.memory_space<hbm>>) dst(%dma_wait3A_458 : memref<200xi32, #tpu.memory_space<vmem>>)
      tpu.yield
    }) : () -> ()
    %dma_start3A_73 = arith.constant 2 : i32
    %dma_start3A_74 = arith.constant 2 : i32
    %dma_start3A_75 = arith.constant 2 : i32
    %dma_start3A_76 = arith.constant 20 : i32
    %dma_start3A_77 = arith.constant 0 : i32
    %dma_start3A_78 = tpu.memref_slice %arg7[%dma_start3A_74, %dma_start3A_76, %dma_start3A_77] : memref<4x220x128xf32, #tpu.memory_space<vmem>> -> memref<1x128x128xf32, #tpu.memory_space<vmem>>
    %dma_start3A_79 = tpu.memref_squeeze %dma_start3A_78 : memref<1x128x128xf32, #tpu.memory_space<vmem>> -> memref<128x128xf32, #tpu.memory_space<vmem>>
    %dma_start3A_80 = arith.constant 0 : i32
    %dma_start3A_81 = tpu.memref_slice %arg6[%dma_start3A_73, %dma_start3A_80] : memref<4x200xi32, #tpu.memory_space<vmem>> -> memref<1x128xi32, #tpu.memory_space<vmem>>
    %dma_start3A_82 = tpu.memref_squeeze %dma_start3A_81 : memref<1x128xi32, #tpu.memory_space<vmem>> -> memref<128xi32, #tpu.memory_space<vmem>>
    %dma_start3A_83 = arith.constant 0 : i32
    %dma_start3A_84 = arith.constant 0 : i32
    %dma_start3A_85 = tpu.memref_slice %arg3[%dma_start3A_83, %dma_start3A_84] : memref<1000000x128xf32, #tpu.memory_space<hbm>> -> memref<1000000x128xf32, #tpu.memory_space<hbm>>
    %dma_start3A_86 = tpu.memref_slice %arg8[%dma_start3A_75] : memref<4x!tpu.dma_semaphore, #tpu.memory_space<semaphore_mem>> -> memref<1x!tpu.dma_semaphore, #tpu.memory_space<semaphore_mem>>
    %dma_start3A_87 = tpu.memref_squeeze %dma_start3A_86 : memref<1x!tpu.dma_semaphore, #tpu.memory_space<semaphore_mem>> -> memref<!tpu.dma_semaphore, #tpu.memory_space<semaphore_mem>>
    tpu.enqueue_indirect_dma source(%dma_start3A_85 : memref<1000000x128xf32, #tpu.memory_space<hbm>>) target(%dma_start3A_79 : memref<128x128xf32, #tpu.memory_space<vmem>>) offsets(%dma_start3A_82 : memref<128xi32, #tpu.memory_space<vmem>>) semaphore(%dma_start3A_87 : memref<!tpu.dma_semaphore, #tpu.memory_space<semaphore_mem>>)
    %dma_start3A_88 = arith.constant 2 : i32
    %dma_start3A_89 = arith.constant 2 : i32
    %dma_start3A_90 = arith.constant 2 : i32
    %dma_start3A_91 = arith.constant 148 : i32
    %dma_start3A_92 = arith.constant 0 : i32
    %dma_start3A_93 = tpu.memref_slice %arg7[%dma_start3A_89, %dma_start3A_91, %dma_start3A_92] : memref<4x220x128xf32, #tpu.memory_space<vmem>> -> memref<1x72x128xf32, #tpu.memory_space<vmem>>
    %dma_start3A_94 = tpu.memref_squeeze %dma_start3A_93 : memref<1x72x128xf32, #tpu.memory_space<vmem>> -> memref<72x128xf32, #tpu.memory_space<vmem>>
    %dma_start3A_95 = arith.constant 128 : i32
    %dma_start3A_96 = tpu.memref_slice %arg6[%dma_start3A_88, %dma_start3A_95] : memref<4x200xi32, #tpu.memory_space<vmem>> -> memref<1x72xi32, #tpu.memory_space<vmem>>
    %dma_start3A_97 = tpu.memref_squeeze %dma_start3A_96 : memref<1x72xi32, #tpu.memory_space<vmem>> -> memref<72xi32, #tpu.memory_space<vmem>>
    %dma_start3A_98 = arith.constant 0 : i32
    %dma_start3A_99 = arith.constant 0 : i32
    %dma_start3A_100 = tpu.memref_slice %arg3[%dma_start3A_98, %dma_start3A_99] : memref<1000000x128xf32, #tpu.memory_space<hbm>> -> memref<1000000x128xf32, #tpu.memory_space<hbm>>
    %dma_start3A_101 = tpu.memref_slice %arg8[%dma_start3A_90] : memref<4x!tpu.dma_semaphore, #tpu.memory_space<semaphore_mem>> -> memref<1x!tpu.dma_semaphore, #tpu.memory_space<semaphore_mem>>
    %dma_start3A_102 = tpu.memref_squeeze %dma_start3A_101 : memref<1x!tpu.dma_semaphore, #tpu.memory_space<semaphore_mem>> -> memref<!tpu.dma_semaphore, #tpu.memory_space<semaphore_mem>>
    tpu.enqueue_indirect_dma source(%dma_start3A_100 : memref<1000000x128xf32, #tpu.memory_space<hbm>>) target(%dma_start3A_94 : memref<72x128xf32, #tpu.memory_space<vmem>>) offsets(%dma_start3A_97 : memref<72xi32, #tpu.memory_space<vmem>>) semaphore(%dma_start3A_102 : memref<!tpu.dma_semaphore, #tpu.memory_space<semaphore_mem>>)
    %run_scoped3A_103 = arith.constant 3 : i32
    "tpu.region"() ({
      %run_scoped3A_437 = tpu.sem_alloc : memref<!tpu.dma_semaphore, #tpu.memory_space<semaphore_mem>>
      %dma_start3A_438 = arith.constant 0 : i32
      %dma_start3A_439 = arith.constant 0 : i32
      %dma_start3A_440 = tpu.memref_slice %arg7[%run_scoped3A_103, %dma_start3A_438, %dma_start3A_439] : memref<4x220x128xf32, #tpu.memory_space<vmem>> -> memref<1x20x128xf32, #tpu.memory_space<vmem>>
      %dma_start3A_441 = tpu.memref_squeeze %dma_start3A_440 : memref<1x20x128xf32, #tpu.memory_space<vmem>> -> memref<20x128xf32, #tpu.memory_space<vmem>>
      %dma_start3A_442 = arith.constant 0 : i32
      %dma_start3A_443 = arith.constant 0 : i32
      %dma_start3A_444 = tpu.memref_slice %arg7[%run_scoped3A_103, %dma_start3A_442, %dma_start3A_443] : memref<4x220x128xf32, #tpu.memory_space<vmem>> -> memref<1x20x128xf32, #tpu.memory_space<vmem>>
      %dma_start3A_445 = tpu.memref_squeeze %dma_start3A_444 : memref<1x20x128xf32, #tpu.memory_space<vmem>> -> memref<20x128xf32, #tpu.memory_space<vmem>>
      tpu.enqueue_dma source(%arg4 : memref<20x128xf32, #tpu.memory_space<hbm>>) target(%dma_start3A_445 : memref<20x128xf32, #tpu.memory_space<vmem>>) target_semaphore(%run_scoped3A_437 : memref<!tpu.dma_semaphore, #tpu.memory_space<semaphore_mem>>)
      %dma_wait3A_446 = arith.constant 0 : i32
      %dma_wait3A_447 = arith.constant 0 : i32
      %dma_wait3A_448 = tpu.memref_slice %arg7[%run_scoped3A_103, %dma_wait3A_446, %dma_wait3A_447] : memref<4x220x128xf32, #tpu.memory_space<vmem>> -> memref<1x20x128xf32, #tpu.memory_space<vmem>>
      %dma_wait3A_449 = tpu.memref_squeeze %dma_wait3A_448 : memref<1x20x128xf32, #tpu.memory_space<vmem>> -> memref<20x128xf32, #tpu.memory_space<vmem>>
      %dma_wait3A_450 = arith.constant 0 : i32
      %dma_wait3A_451 = arith.constant 0 : i32
      %dma_wait3A_452 = tpu.memref_slice %arg7[%run_scoped3A_103, %dma_wait3A_450, %dma_wait3A_451] : memref<4x220x128xf32, #tpu.memory_space<vmem>> -> memref<1x20x128xf32, #tpu.memory_space<vmem>>
      %dma_wait3A_453 = tpu.memref_squeeze %dma_wait3A_452 : memref<1x20x128xf32, #tpu.memory_space<vmem>> -> memref<20x128xf32, #tpu.memory_space<vmem>>
      tpu.wait_dma2 semaphore(%run_scoped3A_437 : memref<!tpu.dma_semaphore, #tpu.memory_space<semaphore_mem>>) src(%arg4 : memref<20x128xf32, #tpu.memory_space<hbm>>) dst(%dma_wait3A_453 : memref<20x128xf32, #tpu.memory_space<vmem>>)
      tpu.yield
    }) : () -> ()
    %add3A_104 = arith.constant 3 : i32
    %add3A_105 = arith.addi %mul3A_2, %add3A_104 : i32
    %run_scoped3A_106 = arith.constant 3 : i32
    "tpu.region"() ({
      %run_scoped3A_437 = tpu.sem_alloc : memref<!tpu.dma_semaphore, #tpu.memory_space<semaphore_mem>>
      %dma_start3A_438 = arith.constant 0 : i32
      %dma_start3A_439 = tpu.memref_slice %arg6[%run_scoped3A_106, %dma_start3A_438] : memref<4x200xi32, #tpu.memory_space<vmem>> -> memref<1x200xi32, #tpu.memory_space<vmem>>
      %dma_start3A_440 = tpu.memref_squeeze %dma_start3A_439 : memref<1x200xi32, #tpu.memory_space<vmem>> -> memref<200xi32, #tpu.memory_space<vmem>>
      %dma_start3A_441 = arith.constant 0 : i32
      %dma_start3A_442 = tpu.memref_slice %arg2[%add3A_105, %dma_start3A_441] : memref<1024x200xi32, #tpu.memory_space<hbm>> -> memref<1x200xi32, #tpu.memory_space<hbm>>
      %dma_start3A_443 = tpu.memref_squeeze %dma_start3A_442 : memref<1x200xi32, #tpu.memory_space<hbm>> -> memref<200xi32, #tpu.memory_space<hbm>>
      %dma_start3A_444 = arith.constant 0 : i32
      %dma_start3A_445 = tpu.memref_slice %arg6[%run_scoped3A_106, %dma_start3A_444] : memref<4x200xi32, #tpu.memory_space<vmem>> -> memref<1x200xi32, #tpu.memory_space<vmem>>
      %dma_start3A_446 = tpu.memref_squeeze %dma_start3A_445 : memref<1x200xi32, #tpu.memory_space<vmem>> -> memref<200xi32, #tpu.memory_space<vmem>>
      %dma_start3A_447 = arith.constant 0 : i32
      %dma_start3A_448 = tpu.memref_slice %arg2[%add3A_105, %dma_start3A_447] : memref<1024x200xi32, #tpu.memory_space<hbm>> -> memref<1x200xi32, #tpu.memory_space<hbm>>
      %dma_start3A_449 = tpu.memref_squeeze %dma_start3A_448 : memref<1x200xi32, #tpu.memory_space<hbm>> -> memref<200xi32, #tpu.memory_space<hbm>>
      tpu.enqueue_dma source(%dma_start3A_449 : memref<200xi32, #tpu.memory_space<hbm>>) target(%dma_start3A_446 : memref<200xi32, #tpu.memory_space<vmem>>) target_semaphore(%run_scoped3A_437 : memref<!tpu.dma_semaphore, #tpu.memory_space<semaphore_mem>>)
      %dma_wait3A_450 = arith.constant 0 : i32
      %dma_wait3A_451 = tpu.memref_slice %arg6[%run_scoped3A_106, %dma_wait3A_450] : memref<4x200xi32, #tpu.memory_space<vmem>> -> memref<1x200xi32, #tpu.memory_space<vmem>>
      %dma_wait3A_452 = tpu.memref_squeeze %dma_wait3A_451 : memref<1x200xi32, #tpu.memory_space<vmem>> -> memref<200xi32, #tpu.memory_space<vmem>>
      %dma_wait3A_453 = arith.constant 0 : i32
      %dma_wait3A_454 = tpu.memref_slice %arg2[%add3A_105, %dma_wait3A_453] : memref<1024x200xi32, #tpu.memory_space<hbm>> -> memref<1x200xi32, #tpu.memory_space<hbm>>
      %dma_wait3A_455 = tpu.memref_squeeze %dma_wait3A_454 : memref<1x200xi32, #tpu.memory_space<hbm>> -> memref<200xi32, #tpu.memory_space<hbm>>
      %dma_wait3A_456 = arith.constant 0 : i32
      %dma_wait3A_457 = tpu.memref_slice %arg6[%run_scoped3A_106, %dma_wait3A_456] : memref<4x200xi32, #tpu.memory_space<vmem>> -> memref<1x200xi32, #tpu.memory_space<vmem>>
      %dma_wait3A_458 = tpu.memref_squeeze %dma_wait3A_457 : memref<1x200xi32, #tpu.memory_space<vmem>> -> memref<200xi32, #tpu.memory_space<vmem>>
      %dma_wait3A_459 = arith.constant 0 : i32
      %dma_wait3A_460 = tpu.memref_slice %arg2[%add3A_105, %dma_wait3A_459] : memref<1024x200xi32, #tpu.memory_space<hbm>> -> memref<1x200xi32, #tpu.memory_space<hbm>>
      %dma_wait3A_461 = tpu.memref_squeeze %dma_wait3A_460 : memref<1x200xi32, #tpu.memory_space<hbm>> -> memref<200xi32, #tpu.memory_space<hbm>>
      tpu.wait_dma2 semaphore(%run_scoped3A_437 : memref<!tpu.dma_semaphore, #tpu.memory_space<semaphore_mem>>) src(%dma_wait3A_461 : memref<200xi32, #tpu.memory_space<hbm>>) dst(%dma_wait3A_458 : memref<200xi32, #tpu.memory_space<vmem>>)
      tpu.yield
    }) : () -> ()
    %dma_start3A_107 = arith.constant 3 : i32
    %dma_start3A_108 = arith.constant 3 : i32
    %dma_start3A_109 = arith.constant 3 : i32
    %dma_start3A_110 = arith.constant 20 : i32
    %dma_start3A_111 = arith.constant 0 : i32
    %dma_start3A_112 = tpu.memref_slice %arg7[%dma_start3A_108, %dma_start3A_110, %dma_start3A_111] : memref<4x220x128xf32, #tpu.memory_space<vmem>> -> memref<1x128x128xf32, #tpu.memory_space<vmem>>
    %dma_start3A_113 = tpu.memref_squeeze %dma_start3A_112 : memref<1x128x128xf32, #tpu.memory_space<vmem>> -> memref<128x128xf32, #tpu.memory_space<vmem>>
    %dma_start3A_114 = arith.constant 0 : i32
    %dma_start3A_115 = tpu.memref_slice %arg6[%dma_start3A_107, %dma_start3A_114] : memref<4x200xi32, #tpu.memory_space<vmem>> -> memref<1x128xi32, #tpu.memory_space<vmem>>
    %dma_start3A_116 = tpu.memref_squeeze %dma_start3A_115 : memref<1x128xi32, #tpu.memory_space<vmem>> -> memref<128xi32, #tpu.memory_space<vmem>>
    %dma_start3A_117 = arith.constant 0 : i32
    %dma_start3A_118 = arith.constant 0 : i32
    %dma_start3A_119 = tpu.memref_slice %arg3[%dma_start3A_117, %dma_start3A_118] : memref<1000000x128xf32, #tpu.memory_space<hbm>> -> memref<1000000x128xf32, #tpu.memory_space<hbm>>
    %dma_start3A_120 = tpu.memref_slice %arg8[%dma_start3A_109] : memref<4x!tpu.dma_semaphore, #tpu.memory_space<semaphore_mem>> -> memref<1x!tpu.dma_semaphore, #tpu.memory_space<semaphore_mem>>
    %dma_start3A_121 = tpu.memref_squeeze %dma_start3A_120 : memref<1x!tpu.dma_semaphore, #tpu.memory_space<semaphore_mem>> -> memref<!tpu.dma_semaphore, #tpu.memory_space<semaphore_mem>>
    tpu.enqueue_indirect_dma source(%dma_start3A_119 : memref<1000000x128xf32, #tpu.memory_space<hbm>>) target(%dma_start3A_113 : memref<128x128xf32, #tpu.memory_space<vmem>>) offsets(%dma_start3A_116 : memref<128xi32, #tpu.memory_space<vmem>>) semaphore(%dma_start3A_121 : memref<!tpu.dma_semaphore, #tpu.memory_space<semaphore_mem>>)
    %dma_start3A_122 = arith.constant 3 : i32
    %dma_start3A_123 = arith.constant 3 : i32
    %dma_start3A_124 = arith.constant 3 : i32
    %dma_start3A_125 = arith.constant 148 : i32
    %dma_start3A_126 = arith.constant 0 : i32
    %dma_start3A_127 = tpu.memref_slice %arg7[%dma_start3A_123, %dma_start3A_125, %dma_start3A_126] : memref<4x220x128xf32, #tpu.memory_space<vmem>> -> memref<1x72x128xf32, #tpu.memory_space<vmem>>
    %dma_start3A_128 = tpu.memref_squeeze %dma_start3A_127 : memref<1x72x128xf32, #tpu.memory_space<vmem>> -> memref<72x128xf32, #tpu.memory_space<vmem>>
    %dma_start3A_129 = arith.constant 128 : i32
    %dma_start3A_130 = tpu.memref_slice %arg6[%dma_start3A_122, %dma_start3A_129] : memref<4x200xi32, #tpu.memory_space<vmem>> -> memref<1x72xi32, #tpu.memory_space<vmem>>
    %dma_start3A_131 = tpu.memref_squeeze %dma_start3A_130 : memref<1x72xi32, #tpu.memory_space<vmem>> -> memref<72xi32, #tpu.memory_space<vmem>>
    %dma_start3A_132 = arith.constant 0 : i32
    %dma_start3A_133 = arith.constant 0 : i32
    %dma_start3A_134 = tpu.memref_slice %arg3[%dma_start3A_132, %dma_start3A_133] : memref<1000000x128xf32, #tpu.memory_space<hbm>> -> memref<1000000x128xf32, #tpu.memory_space<hbm>>
    %dma_start3A_135 = tpu.memref_slice %arg8[%dma_start3A_124] : memref<4x!tpu.dma_semaphore, #tpu.memory_space<semaphore_mem>> -> memref<1x!tpu.dma_semaphore, #tpu.memory_space<semaphore_mem>>
    %dma_start3A_136 = tpu.memref_squeeze %dma_start3A_135 : memref<1x!tpu.dma_semaphore, #tpu.memory_space<semaphore_mem>> -> memref<!tpu.dma_semaphore, #tpu.memory_space<semaphore_mem>>
    tpu.enqueue_indirect_dma source(%dma_start3A_134 : memref<1000000x128xf32, #tpu.memory_space<hbm>>) target(%dma_start3A_128 : memref<72x128xf32, #tpu.memory_space<vmem>>) offsets(%dma_start3A_131 : memref<72xi32, #tpu.memory_space<vmem>>) semaphore(%dma_start3A_136 : memref<!tpu.dma_semaphore, #tpu.memory_space<semaphore_mem>>)
    %scan3A = arith.constant 0 : i32
    %scan3A_137 = arith.constant 0 : i32
    %scan3A_138 = arith.constant 7 : i32
    %scan3A_139 = arith.addi %scan3A_137, %scan3A_138 : i32
    %scan3A_140 = arith.constant 1 : i32
    scf.for %scan3A_437 = %scan3A_137 to %scan3A_139 step %scan3A_140  : i32 {
      %mul3A_438 = arith.constant 4 : i32
      %mul3A_439 = arith.muli %scan3A_437, %mul3A_438 : i32
      %add3A_440 = arith.constant 0 : i32
      %add3A_441 = arith.addi %mul3A_439, %add3A_440 : i32
      %dma_wait3A_442 = arith.constant 0 : i32
      %dma_wait3A_443 = arith.constant 0 : i32
      %dma_wait3A_444 = arith.constant 0 : i32
      %dma_wait3A_445 = arith.constant 20 : i32
      %dma_wait3A_446 = arith.constant 0 : i32
      %dma_wait3A_447 = tpu.memref_slice %arg7[%dma_wait3A_443, %dma_wait3A_445, %dma_wait3A_446] : memref<4x220x128xf32, #tpu.memory_space<vmem>> -> memref<1x128x128xf32, #tpu.memory_space<vmem>>
      %dma_wait3A_448 = tpu.memref_squeeze %dma_wait3A_447 : memref<1x128x128xf32, #tpu.memory_space<vmem>> -> memref<128x128xf32, #tpu.memory_space<vmem>>
      %dma_wait3A_449 = arith.constant 0 : i32
      %dma_wait3A_450 = tpu.memref_slice %arg6[%dma_wait3A_442, %dma_wait3A_449] : memref<4x200xi32, #tpu.memory_space<vmem>> -> memref<1x128xi32, #tpu.memory_space<vmem>>
      %dma_wait3A_451 = tpu.memref_squeeze %dma_wait3A_450 : memref<1x128xi32, #tpu.memory_space<vmem>> -> memref<128xi32, #tpu.memory_space<vmem>>
      %dma_wait3A_452 = arith.constant 0 : i32
      %dma_wait3A_453 = arith.constant 0 : i32
      %dma_wait3A_454 = tpu.memref_slice %arg3[%dma_wait3A_452, %dma_wait3A_453] : memref<1000000x128xf32, #tpu.memory_space<hbm>> -> memref<1000000x128xf32, #tpu.memory_space<hbm>>
      %dma_wait3A_455 = tpu.memref_slice %arg8[%dma_wait3A_444] : memref<4x!tpu.dma_semaphore, #tpu.memory_space<semaphore_mem>> -> memref<1x!tpu.dma_semaphore, #tpu.memory_space<semaphore_mem>>
      %dma_wait3A_456 = tpu.memref_squeeze %dma_wait3A_455 : memref<1x!tpu.dma_semaphore, #tpu.memory_space<semaphore_mem>> -> memref<!tpu.dma_semaphore, #tpu.memory_space<semaphore_mem>>
      tpu.wait_indirect_dma semaphore(%dma_wait3A_456 : memref<!tpu.dma_semaphore, #tpu.memory_space<semaphore_mem>>) src(%dma_wait3A_454 : memref<1000000x128xf32, #tpu.memory_space<hbm>>) dst(%dma_wait3A_448 : memref<128x128xf32, #tpu.memory_space<vmem>>)
      %dma_wait3A_457 = arith.constant 0 : i32
      %dma_wait3A_458 = arith.constant 0 : i32
      %dma_wait3A_459 = arith.constant 0 : i32
      %dma_wait3A_460 = arith.constant 148 : i32
      %dma_wait3A_461 = arith.constant 0 : i32
      %dma_wait3A_462 = tpu.memref_slice %arg7[%dma_wait3A_458, %dma_wait3A_460, %dma_wait3A_461] : memref<4x220x128xf32, #tpu.memory_space<vmem>> -> memref<1x72x128xf32, #tpu.memory_space<vmem>>
      %dma_wait3A_463 = tpu.memref_squeeze %dma_wait3A_462 : memref<1x72x128xf32, #tpu.memory_space<vmem>> -> memref<72x128xf32, #tpu.memory_space<vmem>>
      %dma_wait3A_464 = arith.constant 128 : i32
      %dma_wait3A_465 = tpu.memref_slice %arg6[%dma_wait3A_457, %dma_wait3A_464] : memref<4x200xi32, #tpu.memory_space<vmem>> -> memref<1x72xi32, #tpu.memory_space<vmem>>
      %dma_wait3A_466 = tpu.memref_squeeze %dma_wait3A_465 : memref<1x72xi32, #tpu.memory_space<vmem>> -> memref<72xi32, #tpu.memory_space<vmem>>
      %dma_wait3A_467 = arith.constant 0 : i32
      %dma_wait3A_468 = arith.constant 0 : i32
      %dma_wait3A_469 = tpu.memref_slice %arg3[%dma_wait3A_467, %dma_wait3A_468] : memref<1000000x128xf32, #tpu.memory_space<hbm>> -> memref<1000000x128xf32, #tpu.memory_space<hbm>>
      %dma_wait3A_470 = tpu.memref_slice %arg8[%dma_wait3A_459] : memref<4x!tpu.dma_semaphore, #tpu.memory_space<semaphore_mem>> -> memref<1x!tpu.dma_semaphore, #tpu.memory_space<semaphore_mem>>
      %dma_wait3A_471 = tpu.memref_squeeze %dma_wait3A_470 : memref<1x!tpu.dma_semaphore, #tpu.memory_space<semaphore_mem>> -> memref<!tpu.dma_semaphore, #tpu.memory_space<semaphore_mem>>
      tpu.wait_indirect_dma semaphore(%dma_wait3A_471 : memref<!tpu.dma_semaphore, #tpu.memory_space<semaphore_mem>>) src(%dma_wait3A_469 : memref<1000000x128xf32, #tpu.memory_space<hbm>>) dst(%dma_wait3A_463 : memref<72x128xf32, #tpu.memory_space<vmem>>)
      %add3A_472 = arith.addi %mul3A_2, %add3A_441 : i32
      %dma_start3A_473 = arith.constant 0 : i32
      %dma_start3A_474 = arith.constant 0 : i32
      %dma_start3A_475 = arith.constant 0 : i32
      %dma_start3A_476 = arith.constant 0 : i32
      %dma_start3A_477 = tpu.memref_slice %arg7[%dma_start3A_473, %dma_start3A_475, %dma_start3A_476] : memref<4x220x128xf32, #tpu.memory_space<vmem>> -> memref<1x220x128xf32, #tpu.memory_space<vmem>>
      %dma_start3A_478 = tpu.memref_squeeze %dma_start3A_477 : memref<1x220x128xf32, #tpu.memory_space<vmem>> -> memref<220x128xf32, #tpu.memory_space<vmem>>
      %dma_start3A_479 = arith.constant 0 : i32
      %dma_start3A_480 = arith.constant 0 : i32
      %dma_start3A_481 = tpu.memref_slice %arg5[%add3A_472, %dma_start3A_479, %dma_start3A_480] : memref<1024x220x128xf32, #tpu.memory_space<hbm>> -> memref<1x220x128xf32, #tpu.memory_space<hbm>>
      %dma_start3A_482 = tpu.memref_squeeze %dma_start3A_481 : memref<1x220x128xf32, #tpu.memory_space<hbm>> -> memref<220x128xf32, #tpu.memory_space<hbm>>
      %dma_start3A_483 = tpu.memref_slice %arg9[%dma_start3A_474] : memref<4x!tpu.dma_semaphore, #tpu.memory_space<semaphore_mem>> -> memref<1x!tpu.dma_semaphore, #tpu.memory_space<semaphore_mem>>
      %dma_start3A_484 = tpu.memref_squeeze %dma_start3A_483 : memref<1x!tpu.dma_semaphore, #tpu.memory_space<semaphore_mem>> -> memref<!tpu.dma_semaphore, #tpu.memory_space<semaphore_mem>>
      %dma_start3A_485 = arith.constant 0 : i32
      %dma_start3A_486 = arith.constant 0 : i32
      %dma_start3A_487 = tpu.memref_slice %arg5[%add3A_472, %dma_start3A_485, %dma_start3A_486] : memref<1024x220x128xf32, #tpu.memory_space<hbm>> -> memref<1x220x128xf32, #tpu.memory_space<hbm>>
      %dma_start3A_488 = tpu.memref_squeeze %dma_start3A_487 : memref<1x220x128xf32, #tpu.memory_space<hbm>> -> memref<220x128xf32, #tpu.memory_space<hbm>>
      %dma_start3A_489 = arith.constant 0 : i32
      %dma_start3A_490 = arith.constant 0 : i32
      %dma_start3A_491 = tpu.memref_slice %arg7[%dma_start3A_473, %dma_start3A_489, %dma_start3A_490] : memref<4x220x128xf32, #tpu.memory_space<vmem>> -> memref<1x220x128xf32, #tpu.memory_space<vmem>>
      %dma_start3A_492 = tpu.memref_squeeze %dma_start3A_491 : memref<1x220x128xf32, #tpu.memory_space<vmem>> -> memref<220x128xf32, #tpu.memory_space<vmem>>
      tpu.enqueue_dma source(%dma_start3A_492 : memref<220x128xf32, #tpu.memory_space<vmem>>) target(%dma_start3A_488 : memref<220x128xf32, #tpu.memory_space<hbm>>) target_semaphore(%dma_start3A_484 : memref<!tpu.dma_semaphore, #tpu.memory_space<semaphore_mem>>)
      %add3A_493 = arith.addi %mul3A_2, %add3A_441 : i32
      %dma_wait3A_494 = arith.constant 0 : i32
      %dma_wait3A_495 = arith.constant 0 : i32
      %dma_wait3A_496 = arith.constant 0 : i32
      %dma_wait3A_497 = arith.constant 0 : i32
      %dma_wait3A_498 = tpu.memref_slice %arg7[%dma_wait3A_494, %dma_wait3A_496, %dma_wait3A_497] : memref<4x220x128xf32, #tpu.memory_space<vmem>> -> memref<1x220x128xf32, #tpu.memory_space<vmem>>
      %dma_wait3A_499 = tpu.memref_squeeze %dma_wait3A_498 : memref<1x220x128xf32, #tpu.memory_space<vmem>> -> memref<220x128xf32, #tpu.memory_space<vmem>>
      %dma_wait3A_500 = arith.constant 0 : i32
      %dma_wait3A_501 = arith.constant 0 : i32
      %dma_wait3A_502 = tpu.memref_slice %arg5[%add3A_493, %dma_wait3A_500, %dma_wait3A_501] : memref<1024x220x128xf32, #tpu.memory_space<hbm>> -> memref<1x220x128xf32, #tpu.memory_space<hbm>>
      %dma_wait3A_503 = tpu.memref_squeeze %dma_wait3A_502 : memref<1x220x128xf32, #tpu.memory_space<hbm>> -> memref<220x128xf32, #tpu.memory_space<hbm>>
      %dma_wait3A_504 = tpu.memref_slice %arg9[%dma_wait3A_495] : memref<4x!tpu.dma_semaphore, #tpu.memory_space<semaphore_mem>> -> memref<1x!tpu.dma_semaphore, #tpu.memory_space<semaphore_mem>>
      %dma_wait3A_505 = tpu.memref_squeeze %dma_wait3A_504 : memref<1x!tpu.dma_semaphore, #tpu.memory_space<semaphore_mem>> -> memref<!tpu.dma_semaphore, #tpu.memory_space<semaphore_mem>>
      %dma_wait3A_506 = arith.constant 0 : i32
      %dma_wait3A_507 = arith.constant 0 : i32
      %dma_wait3A_508 = tpu.memref_slice %arg5[%add3A_493, %dma_wait3A_506, %dma_wait3A_507] : memref<1024x220x128xf32, #tpu.memory_space<hbm>> -> memref<1x220x128xf32, #tpu.memory_space<hbm>>
      %dma_wait3A_509 = tpu.memref_squeeze %dma_wait3A_508 : memref<1x220x128xf32, #tpu.memory_space<hbm>> -> memref<220x128xf32, #tpu.memory_space<hbm>>
      %dma_wait3A_510 = arith.constant 0 : i32
      %dma_wait3A_511 = arith.constant 0 : i32
      %dma_wait3A_512 = tpu.memref_slice %arg7[%dma_wait3A_494, %dma_wait3A_510, %dma_wait3A_511] : memref<4x220x128xf32, #tpu.memory_space<vmem>> -> memref<1x220x128xf32, #tpu.memory_space<vmem>>
      %dma_wait3A_513 = tpu.memref_squeeze %dma_wait3A_512 : memref<1x220x128xf32, #tpu.memory_space<vmem>> -> memref<220x128xf32, #tpu.memory_space<vmem>>
      tpu.wait_dma2 semaphore(%dma_wait3A_505 : memref<!tpu.dma_semaphore, #tpu.memory_space<semaphore_mem>>) src(%dma_wait3A_513 : memref<220x128xf32, #tpu.memory_space<vmem>>) dst(%dma_wait3A_509 : memref<220x128xf32, #tpu.memory_space<hbm>>)
      %add3A_514 = arith.constant 4 : i32
      %add3A_515 = arith.addi %add3A_441, %add3A_514 : i32
      %add3A_516 = arith.addi %mul3A_2, %add3A_515 : i32
      %run_scoped3A_517 = arith.constant 0 : i32
      "tpu.region"() ({
        %run_scoped3A_878 = tpu.sem_alloc : memref<!tpu.dma_semaphore, #tpu.memory_space<semaphore_mem>>
        %dma_start3A_879 = arith.constant 0 : i32
        %dma_start3A_880 = tpu.memref_slice %arg6[%run_scoped3A_517, %dma_start3A_879] : memref<4x200xi32, #tpu.memory_space<vmem>> -> memref<1x200xi32, #tpu.memory_space<vmem>>
        %dma_start3A_881 = tpu.memref_squeeze %dma_start3A_880 : memref<1x200xi32, #tpu.memory_space<vmem>> -> memref<200xi32, #tpu.memory_space<vmem>>
        %dma_start3A_882 = arith.constant 0 : i32
        %dma_start3A_883 = tpu.memref_slice %arg2[%add3A_516, %dma_start3A_882] : memref<1024x200xi32, #tpu.memory_space<hbm>> -> memref<1x200xi32, #tpu.memory_space<hbm>>
        %dma_start3A_884 = tpu.memref_squeeze %dma_start3A_883 : memref<1x200xi32, #tpu.memory_space<hbm>> -> memref<200xi32, #tpu.memory_space<hbm>>
        %dma_start3A_885 = arith.constant 0 : i32
        %dma_start3A_886 = tpu.memref_slice %arg6[%run_scoped3A_517, %dma_start3A_885] : memref<4x200xi32, #tpu.memory_space<vmem>> -> memref<1x200xi32, #tpu.memory_space<vmem>>
        %dma_start3A_887 = tpu.memref_squeeze %dma_start3A_886 : memref<1x200xi32, #tpu.memory_space<vmem>> -> memref<200xi32, #tpu.memory_space<vmem>>
        %dma_start3A_888 = arith.constant 0 : i32
        %dma_start3A_889 = tpu.memref_slice %arg2[%add3A_516, %dma_start3A_888] : memref<1024x200xi32, #tpu.memory_space<hbm>> -> memref<1x200xi32, #tpu.memory_space<hbm>>
        %dma_start3A_890 = tpu.memref_squeeze %dma_start3A_889 : memref<1x200xi32, #tpu.memory_space<hbm>> -> memref<200xi32, #tpu.memory_space<hbm>>
        tpu.enqueue_dma source(%dma_start3A_890 : memref<200xi32, #tpu.memory_space<hbm>>) target(%dma_start3A_887 : memref<200xi32, #tpu.memory_space<vmem>>) target_semaphore(%run_scoped3A_878 : memref<!tpu.dma_semaphore, #tpu.memory_space<semaphore_mem>>)
        %dma_wait3A_891 = arith.constant 0 : i32
        %dma_wait3A_892 = tpu.memref_slice %arg6[%run_scoped3A_517, %dma_wait3A_891] : memref<4x200xi32, #tpu.memory_space<vmem>> -> memref<1x200xi32, #tpu.memory_space<vmem>>
        %dma_wait3A_893 = tpu.memref_squeeze %dma_wait3A_892 : memref<1x200xi32, #tpu.memory_space<vmem>> -> memref<200xi32, #tpu.memory_space<vmem>>
        %dma_wait3A_894 = arith.constant 0 : i32
        %dma_wait3A_895 = tpu.memref_slice %arg2[%add3A_516, %dma_wait3A_894] : memref<1024x200xi32, #tpu.memory_space<hbm>> -> memref<1x200xi32, #tpu.memory_space<hbm>>
        %dma_wait3A_896 = tpu.memref_squeeze %dma_wait3A_895 : memref<1x200xi32, #tpu.memory_space<hbm>> -> memref<200xi32, #tpu.memory_space<hbm>>
        %dma_wait3A_897 = arith.constant 0 : i32
        %dma_wait3A_898 = tpu.memref_slice %arg6[%run_scoped3A_517, %dma_wait3A_897] : memref<4x200xi32, #tpu.memory_space<vmem>> -> memref<1x200xi32, #tpu.memory_space<vmem>>
        %dma_wait3A_899 = tpu.memref_squeeze %dma_wait3A_898 : memref<1x200xi32, #tpu.memory_space<vmem>> -> memref<200xi32, #tpu.memory_space<vmem>>
        %dma_wait3A_900 = arith.constant 0 : i32
        %dma_wait3A_901 = tpu.memref_slice %arg2[%add3A_516, %dma_wait3A_900] : memref<1024x200xi32, #tpu.memory_space<hbm>> -> memref<1x200xi32, #tpu.memory_space<hbm>>
        %dma_wait3A_902 = tpu.memref_squeeze %dma_wait3A_901 : memref<1x200xi32, #tpu.memory_space<hbm>> -> memref<200xi32, #tpu.memory_space<hbm>>
        tpu.wait_dma2 semaphore(%run_scoped3A_878 : memref<!tpu.dma_semaphore, #tpu.memory_space<semaphore_mem>>) src(%dma_wait3A_902 : memref<200xi32, #tpu.memory_space<hbm>>) dst(%dma_wait3A_899 : memref<200xi32, #tpu.memory_space<vmem>>)
        tpu.yield
      }) : () -> ()
      %dma_start3A_518 = arith.constant 0 : i32
      %dma_start3A_519 = arith.constant 0 : i32
      %dma_start3A_520 = arith.constant 0 : i32
      %dma_start3A_521 = arith.constant 20 : i32
      %dma_start3A_522 = arith.constant 0 : i32
      %dma_start3A_523 = tpu.memref_slice %arg7[%dma_start3A_519, %dma_start3A_521, %dma_start3A_522] : memref<4x220x128xf32, #tpu.memory_space<vmem>> -> memref<1x128x128xf32, #tpu.memory_space<vmem>>
      %dma_start3A_524 = tpu.memref_squeeze %dma_start3A_523 : memref<1x128x128xf32, #tpu.memory_space<vmem>> -> memref<128x128xf32, #tpu.memory_space<vmem>>
      %dma_start3A_525 = arith.constant 0 : i32
      %dma_start3A_526 = tpu.memref_slice %arg6[%dma_start3A_518, %dma_start3A_525] : memref<4x200xi32, #tpu.memory_space<vmem>> -> memref<1x128xi32, #tpu.memory_space<vmem>>
      %dma_start3A_527 = tpu.memref_squeeze %dma_start3A_526 : memref<1x128xi32, #tpu.memory_space<vmem>> -> memref<128xi32, #tpu.memory_space<vmem>>
      %dma_start3A_528 = arith.constant 0 : i32
      %dma_start3A_529 = arith.constant 0 : i32
      %dma_start3A_530 = tpu.memref_slice %arg3[%dma_start3A_528, %dma_start3A_529] : memref<1000000x128xf32, #tpu.memory_space<hbm>> -> memref<1000000x128xf32, #tpu.memory_space<hbm>>
      %dma_start3A_531 = tpu.memref_slice %arg8[%dma_start3A_520] : memref<4x!tpu.dma_semaphore, #tpu.memory_space<semaphore_mem>> -> memref<1x!tpu.dma_semaphore, #tpu.memory_space<semaphore_mem>>
      %dma_start3A_532 = tpu.memref_squeeze %dma_start3A_531 : memref<1x!tpu.dma_semaphore, #tpu.memory_space<semaphore_mem>> -> memref<!tpu.dma_semaphore, #tpu.memory_space<semaphore_mem>>
      tpu.enqueue_indirect_dma source(%dma_start3A_530 : memref<1000000x128xf32, #tpu.memory_space<hbm>>) target(%dma_start3A_524 : memref<128x128xf32, #tpu.memory_space<vmem>>) offsets(%dma_start3A_527 : memref<128xi32, #tpu.memory_space<vmem>>) semaphore(%dma_start3A_532 : memref<!tpu.dma_semaphore, #tpu.memory_space<semaphore_mem>>)
      %dma_start3A_533 = arith.constant 0 : i32
      %dma_start3A_534 = arith.constant 0 : i32
      %dma_start3A_535 = arith.constant 0 : i32
      %dma_start3A_536 = arith.constant 148 : i32
      %dma_start3A_537 = arith.constant 0 : i32
      %dma_start3A_538 = tpu.memref_slice %arg7[%dma_start3A_534, %dma_start3A_536, %dma_start3A_537] : memref<4x220x128xf32, #tpu.memory_space<vmem>> -> memref<1x72x128xf32, #tpu.memory_space<vmem>>
      %dma_start3A_539 = tpu.memref_squeeze %dma_start3A_538 : memref<1x72x128xf32, #tpu.memory_space<vmem>> -> memref<72x128xf32, #tpu.memory_space<vmem>>
      %dma_start3A_540 = arith.constant 128 : i32
      %dma_start3A_541 = tpu.memref_slice %arg6[%dma_start3A_533, %dma_start3A_540] : memref<4x200xi32, #tpu.memory_space<vmem>> -> memref<1x72xi32, #tpu.memory_space<vmem>>
      %dma_start3A_542 = tpu.memref_squeeze %dma_start3A_541 : memref<1x72xi32, #tpu.memory_space<vmem>> -> memref<72xi32, #tpu.memory_space<vmem>>
      %dma_start3A_543 = arith.constant 0 : i32
      %dma_start3A_544 = arith.constant 0 : i32
      %dma_start3A_545 = tpu.memref_slice %arg3[%dma_start3A_543, %dma_start3A_544] : memref<1000000x128xf32, #tpu.memory_space<hbm>> -> memref<1000000x128xf32, #tpu.memory_space<hbm>>
      %dma_start3A_546 = tpu.memref_slice %arg8[%dma_start3A_535] : memref<4x!tpu.dma_semaphore, #tpu.memory_space<semaphore_mem>> -> memref<1x!tpu.dma_semaphore, #tpu.memory_space<semaphore_mem>>
      %dma_start3A_547 = tpu.memref_squeeze %dma_start3A_546 : memref<1x!tpu.dma_semaphore, #tpu.memory_space<semaphore_mem>> -> memref<!tpu.dma_semaphore, #tpu.memory_space<semaphore_mem>>
      tpu.enqueue_indirect_dma source(%dma_start3A_545 : memref<1000000x128xf32, #tpu.memory_space<hbm>>) target(%dma_start3A_539 : memref<72x128xf32, #tpu.memory_space<vmem>>) offsets(%dma_start3A_542 : memref<72xi32, #tpu.memory_space<vmem>>) semaphore(%dma_start3A_547 : memref<!tpu.dma_semaphore, #tpu.memory_space<semaphore_mem>>)
      %mul3A_548 = arith.constant 4 : i32
      %mul3A_549 = arith.muli %scan3A_437, %mul3A_548 : i32
      %add3A_550 = arith.constant 1 : i32
      %add3A_551 = arith.addi %mul3A_549, %add3A_550 : i32
      %dma_wait3A_552 = arith.constant 1 : i32
      %dma_wait3A_553 = arith.constant 1 : i32
      %dma_wait3A_554 = arith.constant 1 : i32
      %dma_wait3A_555 = arith.constant 20 : i32
      %dma_wait3A_556 = arith.constant 0 : i32
      %dma_wait3A_557 = tpu.memref_slice %arg7[%dma_wait3A_553, %dma_wait3A_555, %dma_wait3A_556] : memref<4x220x128xf32, #tpu.memory_space<vmem>> -> memref<1x128x128xf32, #tpu.memory_space<vmem>>
      %dma_wait3A_558 = tpu.memref_squeeze %dma_wait3A_557 : memref<1x128x128xf32, #tpu.memory_space<vmem>> -> memref<128x128xf32, #tpu.memory_space<vmem>>
      %dma_wait3A_559 = arith.constant 0 : i32
      %dma_wait3A_560 = tpu.memref_slice %arg6[%dma_wait3A_552, %dma_wait3A_559] : memref<4x200xi32, #tpu.memory_space<vmem>> -> memref<1x128xi32, #tpu.memory_space<vmem>>
      %dma_wait3A_561 = tpu.memref_squeeze %dma_wait3A_560 : memref<1x128xi32, #tpu.memory_space<vmem>> -> memref<128xi32, #tpu.memory_space<vmem>>
      %dma_wait3A_562 = arith.constant 0 : i32
      %dma_wait3A_563 = arith.constant 0 : i32
      %dma_wait3A_564 = tpu.memref_slice %arg3[%dma_wait3A_562, %dma_wait3A_563] : memref<1000000x128xf32, #tpu.memory_space<hbm>> -> memref<1000000x128xf32, #tpu.memory_space<hbm>>
      %dma_wait3A_565 = tpu.memref_slice %arg8[%dma_wait3A_554] : memref<4x!tpu.dma_semaphore, #tpu.memory_space<semaphore_mem>> -> memref<1x!tpu.dma_semaphore, #tpu.memory_space<semaphore_mem>>
      %dma_wait3A_566 = tpu.memref_squeeze %dma_wait3A_565 : memref<1x!tpu.dma_semaphore, #tpu.memory_space<semaphore_mem>> -> memref<!tpu.dma_semaphore, #tpu.memory_space<semaphore_mem>>
      tpu.wait_indirect_dma semaphore(%dma_wait3A_566 : memref<!tpu.dma_semaphore, #tpu.memory_space<semaphore_mem>>) src(%dma_wait3A_564 : memref<1000000x128xf32, #tpu.memory_space<hbm>>) dst(%dma_wait3A_558 : memref<128x128xf32, #tpu.memory_space<vmem>>)
      %dma_wait3A_567 = arith.constant 1 : i32
      %dma_wait3A_568 = arith.constant 1 : i32
      %dma_wait3A_569 = arith.constant 1 : i32
      %dma_wait3A_570 = arith.constant 148 : i32
      %dma_wait3A_571 = arith.constant 0 : i32
      %dma_wait3A_572 = tpu.memref_slice %arg7[%dma_wait3A_568, %dma_wait3A_570, %dma_wait3A_571] : memref<4x220x128xf32, #tpu.memory_space<vmem>> -> memref<1x72x128xf32, #tpu.memory_space<vmem>>
      %dma_wait3A_573 = tpu.memref_squeeze %dma_wait3A_572 : memref<1x72x128xf32, #tpu.memory_space<vmem>> -> memref<72x128xf32, #tpu.memory_space<vmem>>
      %dma_wait3A_574 = arith.constant 128 : i32
      %dma_wait3A_575 = tpu.memref_slice %arg6[%dma_wait3A_567, %dma_wait3A_574] : memref<4x200xi32, #tpu.memory_space<vmem>> -> memref<1x72xi32, #tpu.memory_space<vmem>>
      %dma_wait3A_576 = tpu.memref_squeeze %dma_wait3A_575 : memref<1x72xi32, #tpu.memory_space<vmem>> -> memref<72xi32, #tpu.memory_space<vmem>>
      %dma_wait3A_577 = arith.constant 0 : i32
      %dma_wait3A_578 = arith.constant 0 : i32
      %dma_wait3A_579 = tpu.memref_slice %arg3[%dma_wait3A_577, %dma_wait3A_578] : memref<1000000x128xf32, #tpu.memory_space<hbm>> -> memref<1000000x128xf32, #tpu.memory_space<hbm>>
      %dma_wait3A_580 = tpu.memref_slice %arg8[%dma_wait3A_569] : memref<4x!tpu.dma_semaphore, #tpu.memory_space<semaphore_mem>> -> memref<1x!tpu.dma_semaphore, #tpu.memory_space<semaphore_mem>>
      %dma_wait3A_581 = tpu.memref_squeeze %dma_wait3A_580 : memref<1x!tpu.dma_semaphore, #tpu.memory_space<semaphore_mem>> -> memref<!tpu.dma_semaphore, #tpu.memory_space<semaphore_mem>>
      tpu.wait_indirect_dma semaphore(%dma_wait3A_581 : memref<!tpu.dma_semaphore, #tpu.memory_space<semaphore_mem>>) src(%dma_wait3A_579 : memref<1000000x128xf32, #tpu.memory_space<hbm>>) dst(%dma_wait3A_573 : memref<72x128xf32, #tpu.memory_space<vmem>>)
      %add3A_582 = arith.addi %mul3A_2, %add3A_551 : i32
      %dma_start3A_583 = arith.constant 1 : i32
      %dma_start3A_584 = arith.constant 1 : i32
      %dma_start3A_585 = arith.constant 0 : i32
      %dma_start3A_586 = arith.constant 0 : i32
      %dma_start3A_587 = tpu.memref_slice %arg7[%dma_start3A_583, %dma_start3A_585, %dma_start3A_586] : memref<4x220x128xf32, #tpu.memory_space<vmem>> -> memref<1x220x128xf32, #tpu.memory_space<vmem>>
      %dma_start3A_588 = tpu.memref_squeeze %dma_start3A_587 : memref<1x220x128xf32, #tpu.memory_space<vmem>> -> memref<220x128xf32, #tpu.memory_space<vmem>>
      %dma_start3A_589 = arith.constant 0 : i32
      %dma_start3A_590 = arith.constant 0 : i32
      %dma_start3A_591 = tpu.memref_slice %arg5[%add3A_582, %dma_start3A_589, %dma_start3A_590] : memref<1024x220x128xf32, #tpu.memory_space<hbm>> -> memref<1x220x128xf32, #tpu.memory_space<hbm>>
      %dma_start3A_592 = tpu.memref_squeeze %dma_start3A_591 : memref<1x220x128xf32, #tpu.memory_space<hbm>> -> memref<220x128xf32, #tpu.memory_space<hbm>>
      %dma_start3A_593 = tpu.memref_slice %arg9[%dma_start3A_584] : memref<4x!tpu.dma_semaphore, #tpu.memory_space<semaphore_mem>> -> memref<1x!tpu.dma_semaphore, #tpu.memory_space<semaphore_mem>>
      %dma_start3A_594 = tpu.memref_squeeze %dma_start3A_593 : memref<1x!tpu.dma_semaphore, #tpu.memory_space<semaphore_mem>> -> memref<!tpu.dma_semaphore, #tpu.memory_space<semaphore_mem>>
      %dma_start3A_595 = arith.constant 0 : i32
      %dma_start3A_596 = arith.constant 0 : i32
      %dma_start3A_597 = tpu.memref_slice %arg5[%add3A_582, %dma_start3A_595, %dma_start3A_596] : memref<1024x220x128xf32, #tpu.memory_space<hbm>> -> memref<1x220x128xf32, #tpu.memory_space<hbm>>
      %dma_start3A_598 = tpu.memref_squeeze %dma_start3A_597 : memref<1x220x128xf32, #tpu.memory_space<hbm>> -> memref<220x128xf32, #tpu.memory_space<hbm>>
      %dma_start3A_599 = arith.constant 0 : i32
      %dma_start3A_600 = arith.constant 0 : i32
      %dma_start3A_601 = tpu.memref_slice %arg7[%dma_start3A_583, %dma_start3A_599, %dma_start3A_600] : memref<4x220x128xf32, #tpu.memory_space<vmem>> -> memref<1x220x128xf32, #tpu.memory_space<vmem>>
      %dma_start3A_602 = tpu.memref_squeeze %dma_start3A_601 : memref<1x220x128xf32, #tpu.memory_space<vmem>> -> memref<220x128xf32, #tpu.memory_space<vmem>>
      tpu.enqueue_dma source(%dma_start3A_602 : memref<220x128xf32, #tpu.memory_space<vmem>>) target(%dma_start3A_598 : memref<220x128xf32, #tpu.memory_space<hbm>>) target_semaphore(%dma_start3A_594 : memref<!tpu.dma_semaphore, #tpu.memory_space<semaphore_mem>>)
      %add3A_603 = arith.addi %mul3A_2, %add3A_551 : i32
      %dma_wait3A_604 = arith.constant 1 : i32
      %dma_wait3A_605 = arith.constant 1 : i32
      %dma_wait3A_606 = arith.constant 0 : i32
      %dma_wait3A_607 = arith.constant 0 : i32
      %dma_wait3A_608 = tpu.memref_slice %arg7[%dma_wait3A_604, %dma_wait3A_606, %dma_wait3A_607] : memref<4x220x128xf32, #tpu.memory_space<vmem>> -> memref<1x220x128xf32, #tpu.memory_space<vmem>>
      %dma_wait3A_609 = tpu.memref_squeeze %dma_wait3A_608 : memref<1x220x128xf32, #tpu.memory_space<vmem>> -> memref<220x128xf32, #tpu.memory_space<vmem>>
      %dma_wait3A_610 = arith.constant 0 : i32
      %dma_wait3A_611 = arith.constant 0 : i32
      %dma_wait3A_612 = tpu.memref_slice %arg5[%add3A_603, %dma_wait3A_610, %dma_wait3A_611] : memref<1024x220x128xf32, #tpu.memory_space<hbm>> -> memref<1x220x128xf32, #tpu.memory_space<hbm>>
      %dma_wait3A_613 = tpu.memref_squeeze %dma_wait3A_612 : memref<1x220x128xf32, #tpu.memory_space<hbm>> -> memref<220x128xf32, #tpu.memory_space<hbm>>
      %dma_wait3A_614 = tpu.memref_slice %arg9[%dma_wait3A_605] : memref<4x!tpu.dma_semaphore, #tpu.memory_space<semaphore_mem>> -> memref<1x!tpu.dma_semaphore, #tpu.memory_space<semaphore_mem>>
      %dma_wait3A_615 = tpu.memref_squeeze %dma_wait3A_614 : memref<1x!tpu.dma_semaphore, #tpu.memory_space<semaphore_mem>> -> memref<!tpu.dma_semaphore, #tpu.memory_space<semaphore_mem>>
      %dma_wait3A_616 = arith.constant 0 : i32
      %dma_wait3A_617 = arith.constant 0 : i32
      %dma_wait3A_618 = tpu.memref_slice %arg5[%add3A_603, %dma_wait3A_616, %dma_wait3A_617] : memref<1024x220x128xf32, #tpu.memory_space<hbm>> -> memref<1x220x128xf32, #tpu.memory_space<hbm>>
      %dma_wait3A_619 = tpu.memref_squeeze %dma_wait3A_618 : memref<1x220x128xf32, #tpu.memory_space<hbm>> -> memref<220x128xf32, #tpu.memory_space<hbm>>
      %dma_wait3A_620 = arith.constant 0 : i32
      %dma_wait3A_621 = arith.constant 0 : i32
      %dma_wait3A_622 = tpu.memref_slice %arg7[%dma_wait3A_604, %dma_wait3A_620, %dma_wait3A_621] : memref<4x220x128xf32, #tpu.memory_space<vmem>> -> memref<1x220x128xf32, #tpu.memory_space<vmem>>
      %dma_wait3A_623 = tpu.memref_squeeze %dma_wait3A_622 : memref<1x220x128xf32, #tpu.memory_space<vmem>> -> memref<220x128xf32, #tpu.memory_space<vmem>>
      tpu.wait_dma2 semaphore(%dma_wait3A_615 : memref<!tpu.dma_semaphore, #tpu.memory_space<semaphore_mem>>) src(%dma_wait3A_623 : memref<220x128xf32, #tpu.memory_space<vmem>>) dst(%dma_wait3A_619 : memref<220x128xf32, #tpu.memory_space<hbm>>)
      %add3A_624 = arith.constant 4 : i32
      %add3A_625 = arith.addi %add3A_551, %add3A_624 : i32
      %add3A_626 = arith.addi %mul3A_2, %add3A_625 : i32
      %run_scoped3A_627 = arith.constant 1 : i32
      "tpu.region"() ({
        %run_scoped3A_878 = tpu.sem_alloc : memref<!tpu.dma_semaphore, #tpu.memory_space<semaphore_mem>>
        %dma_start3A_879 = arith.constant 0 : i32
        %dma_start3A_880 = tpu.memref_slice %arg6[%run_scoped3A_627, %dma_start3A_879] : memref<4x200xi32, #tpu.memory_space<vmem>> -> memref<1x200xi32, #tpu.memory_space<vmem>>
        %dma_start3A_881 = tpu.memref_squeeze %dma_start3A_880 : memref<1x200xi32, #tpu.memory_space<vmem>> -> memref<200xi32, #tpu.memory_space<vmem>>
        %dma_start3A_882 = arith.constant 0 : i32
        %dma_start3A_883 = tpu.memref_slice %arg2[%add3A_626, %dma_start3A_882] : memref<1024x200xi32, #tpu.memory_space<hbm>> -> memref<1x200xi32, #tpu.memory_space<hbm>>
        %dma_start3A_884 = tpu.memref_squeeze %dma_start3A_883 : memref<1x200xi32, #tpu.memory_space<hbm>> -> memref<200xi32, #tpu.memory_space<hbm>>
        %dma_start3A_885 = arith.constant 0 : i32
        %dma_start3A_886 = tpu.memref_slice %arg6[%run_scoped3A_627, %dma_start3A_885] : memref<4x200xi32, #tpu.memory_space<vmem>> -> memref<1x200xi32, #tpu.memory_space<vmem>>
        %dma_start3A_887 = tpu.memref_squeeze %dma_start3A_886 : memref<1x200xi32, #tpu.memory_space<vmem>> -> memref<200xi32, #tpu.memory_space<vmem>>
        %dma_start3A_888 = arith.constant 0 : i32
        %dma_start3A_889 = tpu.memref_slice %arg2[%add3A_626, %dma_start3A_888] : memref<1024x200xi32, #tpu.memory_space<hbm>> -> memref<1x200xi32, #tpu.memory_space<hbm>>
        %dma_start3A_890 = tpu.memref_squeeze %dma_start3A_889 : memref<1x200xi32, #tpu.memory_space<hbm>> -> memref<200xi32, #tpu.memory_space<hbm>>
        tpu.enqueue_dma source(%dma_start3A_890 : memref<200xi32, #tpu.memory_space<hbm>>) target(%dma_start3A_887 : memref<200xi32, #tpu.memory_space<vmem>>) target_semaphore(%run_scoped3A_878 : memref<!tpu.dma_semaphore, #tpu.memory_space<semaphore_mem>>)
        %dma_wait3A_891 = arith.constant 0 : i32
        %dma_wait3A_892 = tpu.memref_slice %arg6[%run_scoped3A_627, %dma_wait3A_891] : memref<4x200xi32, #tpu.memory_space<vmem>> -> memref<1x200xi32, #tpu.memory_space<vmem>>
        %dma_wait3A_893 = tpu.memref_squeeze %dma_wait3A_892 : memref<1x200xi32, #tpu.memory_space<vmem>> -> memref<200xi32, #tpu.memory_space<vmem>>
        %dma_wait3A_894 = arith.constant 0 : i32
        %dma_wait3A_895 = tpu.memref_slice %arg2[%add3A_626, %dma_wait3A_894] : memref<1024x200xi32, #tpu.memory_space<hbm>> -> memref<1x200xi32, #tpu.memory_space<hbm>>
        %dma_wait3A_896 = tpu.memref_squeeze %dma_wait3A_895 : memref<1x200xi32, #tpu.memory_space<hbm>> -> memref<200xi32, #tpu.memory_space<hbm>>
        %dma_wait3A_897 = arith.constant 0 : i32
        %dma_wait3A_898 = tpu.memref_slice %arg6[%run_scoped3A_627, %dma_wait3A_897] : memref<4x200xi32, #tpu.memory_space<vmem>> -> memref<1x200xi32, #tpu.memory_space<vmem>>
        %dma_wait3A_899 = tpu.memref_squeeze %dma_wait3A_898 : memref<1x200xi32, #tpu.memory_space<vmem>> -> memref<200xi32, #tpu.memory_space<vmem>>
        %dma_wait3A_900 = arith.constant 0 : i32
        %dma_wait3A_901 = tpu.memref_slice %arg2[%add3A_626, %dma_wait3A_900] : memref<1024x200xi32, #tpu.memory_space<hbm>> -> memref<1x200xi32, #tpu.memory_space<hbm>>
        %dma_wait3A_902 = tpu.memref_squeeze %dma_wait3A_901 : memref<1x200xi32, #tpu.memory_space<hbm>> -> memref<200xi32, #tpu.memory_space<hbm>>
        tpu.wait_dma2 semaphore(%run_scoped3A_878 : memref<!tpu.dma_semaphore, #tpu.memory_space<semaphore_mem>>) src(%dma_wait3A_902 : memref<200xi32, #tpu.memory_space<hbm>>) dst(%dma_wait3A_899 : memref<200xi32, #tpu.memory_space<vmem>>)
        tpu.yield
      }) : () -> ()
      %dma_start3A_628 = arith.constant 1 : i32
      %dma_start3A_629 = arith.constant 1 : i32
      %dma_start3A_630 = arith.constant 1 : i32
      %dma_start3A_631 = arith.constant 20 : i32
      %dma_start3A_632 = arith.constant 0 : i32
      %dma_start3A_633 = tpu.memref_slice %arg7[%dma_start3A_629, %dma_start3A_631, %dma_start3A_632] : memref<4x220x128xf32, #tpu.memory_space<vmem>> -> memref<1x128x128xf32, #tpu.memory_space<vmem>>
      %dma_start3A_634 = tpu.memref_squeeze %dma_start3A_633 : memref<1x128x128xf32, #tpu.memory_space<vmem>> -> memref<128x128xf32, #tpu.memory_space<vmem>>
      %dma_start3A_635 = arith.constant 0 : i32
      %dma_start3A_636 = tpu.memref_slice %arg6[%dma_start3A_628, %dma_start3A_635] : memref<4x200xi32, #tpu.memory_space<vmem>> -> memref<1x128xi32, #tpu.memory_space<vmem>>
      %dma_start3A_637 = tpu.memref_squeeze %dma_start3A_636 : memref<1x128xi32, #tpu.memory_space<vmem>> -> memref<128xi32, #tpu.memory_space<vmem>>
      %dma_start3A_638 = arith.constant 0 : i32
      %dma_start3A_639 = arith.constant 0 : i32
      %dma_start3A_640 = tpu.memref_slice %arg3[%dma_start3A_638, %dma_start3A_639] : memref<1000000x128xf32, #tpu.memory_space<hbm>> -> memref<1000000x128xf32, #tpu.memory_space<hbm>>
      %dma_start3A_641 = tpu.memref_slice %arg8[%dma_start3A_630] : memref<4x!tpu.dma_semaphore, #tpu.memory_space<semaphore_mem>> -> memref<1x!tpu.dma_semaphore, #tpu.memory_space<semaphore_mem>>
      %dma_start3A_642 = tpu.memref_squeeze %dma_start3A_641 : memref<1x!tpu.dma_semaphore, #tpu.memory_space<semaphore_mem>> -> memref<!tpu.dma_semaphore, #tpu.memory_space<semaphore_mem>>
      tpu.enqueue_indirect_dma source(%dma_start3A_640 : memref<1000000x128xf32, #tpu.memory_space<hbm>>) target(%dma_start3A_634 : memref<128x128xf32, #tpu.memory_space<vmem>>) offsets(%dma_start3A_637 : memref<128xi32, #tpu.memory_space<vmem>>) semaphore(%dma_start3A_642 : memref<!tpu.dma_semaphore, #tpu.memory_space<semaphore_mem>>)
      %dma_start3A_643 = arith.constant 1 : i32
      %dma_start3A_644 = arith.constant 1 : i32
      %dma_start3A_645 = arith.constant 1 : i32
      %dma_start3A_646 = arith.constant 148 : i32
      %dma_start3A_647 = arith.constant 0 : i32
      %dma_start3A_648 = tpu.memref_slice %arg7[%dma_start3A_644, %dma_start3A_646, %dma_start3A_647] : memref<4x220x128xf32, #tpu.memory_space<vmem>> -> memref<1x72x128xf32, #tpu.memory_space<vmem>>
      %dma_start3A_649 = tpu.memref_squeeze %dma_start3A_648 : memref<1x72x128xf32, #tpu.memory_space<vmem>> -> memref<72x128xf32, #tpu.memory_space<vmem>>
      %dma_start3A_650 = arith.constant 128 : i32
      %dma_start3A_651 = tpu.memref_slice %arg6[%dma_start3A_643, %dma_start3A_650] : memref<4x200xi32, #tpu.memory_space<vmem>> -> memref<1x72xi32, #tpu.memory_space<vmem>>
      %dma_start3A_652 = tpu.memref_squeeze %dma_start3A_651 : memref<1x72xi32, #tpu.memory_space<vmem>> -> memref<72xi32, #tpu.memory_space<vmem>>
      %dma_start3A_653 = arith.constant 0 : i32
      %dma_start3A_654 = arith.constant 0 : i32
      %dma_start3A_655 = tpu.memref_slice %arg3[%dma_start3A_653, %dma_start3A_654] : memref<1000000x128xf32, #tpu.memory_space<hbm>> -> memref<1000000x128xf32, #tpu.memory_space<hbm>>
      %dma_start3A_656 = tpu.memref_slice %arg8[%dma_start3A_645] : memref<4x!tpu.dma_semaphore, #tpu.memory_space<semaphore_mem>> -> memref<1x!tpu.dma_semaphore, #tpu.memory_space<semaphore_mem>>
      %dma_start3A_657 = tpu.memref_squeeze %dma_start3A_656 : memref<1x!tpu.dma_semaphore, #tpu.memory_space<semaphore_mem>> -> memref<!tpu.dma_semaphore, #tpu.memory_space<semaphore_mem>>
      tpu.enqueue_indirect_dma source(%dma_start3A_655 : memref<1000000x128xf32, #tpu.memory_space<hbm>>) target(%dma_start3A_649 : memref<72x128xf32, #tpu.memory_space<vmem>>) offsets(%dma_start3A_652 : memref<72xi32, #tpu.memory_space<vmem>>) semaphore(%dma_start3A_657 : memref<!tpu.dma_semaphore, #tpu.memory_space<semaphore_mem>>)
      %mul3A_658 = arith.constant 4 : i32
      %mul3A_659 = arith.muli %scan3A_437, %mul3A_658 : i32
      %add3A_660 = arith.constant 2 : i32
      %add3A_661 = arith.addi %mul3A_659, %add3A_660 : i32
      %dma_wait3A_662 = arith.constant 2 : i32
      %dma_wait3A_663 = arith.constant 2 : i32
      %dma_wait3A_664 = arith.constant 2 : i32
      %dma_wait3A_665 = arith.constant 20 : i32
      %dma_wait3A_666 = arith.constant 0 : i32
      %dma_wait3A_667 = tpu.memref_slice %arg7[%dma_wait3A_663, %dma_wait3A_665, %dma_wait3A_666] : memref<4x220x128xf32, #tpu.memory_space<vmem>> -> memref<1x128x128xf32, #tpu.memory_space<vmem>>
      %dma_wait3A_668 = tpu.memref_squeeze %dma_wait3A_667 : memref<1x128x128xf32, #tpu.memory_space<vmem>> -> memref<128x128xf32, #tpu.memory_space<vmem>>
      %dma_wait3A_669 = arith.constant 0 : i32
      %dma_wait3A_670 = tpu.memref_slice %arg6[%dma_wait3A_662, %dma_wait3A_669] : memref<4x200xi32, #tpu.memory_space<vmem>> -> memref<1x128xi32, #tpu.memory_space<vmem>>
      %dma_wait3A_671 = tpu.memref_squeeze %dma_wait3A_670 : memref<1x128xi32, #tpu.memory_space<vmem>> -> memref<128xi32, #tpu.memory_space<vmem>>
      %dma_wait3A_672 = arith.constant 0 : i32
      %dma_wait3A_673 = arith.constant 0 : i32
      %dma_wait3A_674 = tpu.memref_slice %arg3[%dma_wait3A_672, %dma_wait3A_673] : memref<1000000x128xf32, #tpu.memory_space<hbm>> -> memref<1000000x128xf32, #tpu.memory_space<hbm>>
      %dma_wait3A_675 = tpu.memref_slice %arg8[%dma_wait3A_664] : memref<4x!tpu.dma_semaphore, #tpu.memory_space<semaphore_mem>> -> memref<1x!tpu.dma_semaphore, #tpu.memory_space<semaphore_mem>>
      %dma_wait3A_676 = tpu.memref_squeeze %dma_wait3A_675 : memref<1x!tpu.dma_semaphore, #tpu.memory_space<semaphore_mem>> -> memref<!tpu.dma_semaphore, #tpu.memory_space<semaphore_mem>>
      tpu.wait_indirect_dma semaphore(%dma_wait3A_676 : memref<!tpu.dma_semaphore, #tpu.memory_space<semaphore_mem>>) src(%dma_wait3A_674 : memref<1000000x128xf32, #tpu.memory_space<hbm>>) dst(%dma_wait3A_668 : memref<128x128xf32, #tpu.memory_space<vmem>>)
      %dma_wait3A_677 = arith.constant 2 : i32
      %dma_wait3A_678 = arith.constant 2 : i32
      %dma_wait3A_679 = arith.constant 2 : i32
      %dma_wait3A_680 = arith.constant 148 : i32
      %dma_wait3A_681 = arith.constant 0 : i32
      %dma_wait3A_682 = tpu.memref_slice %arg7[%dma_wait3A_678, %dma_wait3A_680, %dma_wait3A_681] : memref<4x220x128xf32, #tpu.memory_space<vmem>> -> memref<1x72x128xf32, #tpu.memory_space<vmem>>
      %dma_wait3A_683 = tpu.memref_squeeze %dma_wait3A_682 : memref<1x72x128xf32, #tpu.memory_space<vmem>> -> memref<72x128xf32, #tpu.memory_space<vmem>>
      %dma_wait3A_684 = arith.constant 128 : i32
      %dma_wait3A_685 = tpu.memref_slice %arg6[%dma_wait3A_677, %dma_wait3A_684] : memref<4x200xi32, #tpu.memory_space<vmem>> -> memref<1x72xi32, #tpu.memory_space<vmem>>
      %dma_wait3A_686 = tpu.memref_squeeze %dma_wait3A_685 : memref<1x72xi32, #tpu.memory_space<vmem>> -> memref<72xi32, #tpu.memory_space<vmem>>
      %dma_wait3A_687 = arith.constant 0 : i32
      %dma_wait3A_688 = arith.constant 0 : i32
      %dma_wait3A_689 = tpu.memref_slice %arg3[%dma_wait3A_687, %dma_wait3A_688] : memref<1000000x128xf32, #tpu.memory_space<hbm>> -> memref<1000000x128xf32, #tpu.memory_space<hbm>>
      %dma_wait3A_690 = tpu.memref_slice %arg8[%dma_wait3A_679] : memref<4x!tpu.dma_semaphore, #tpu.memory_space<semaphore_mem>> -> memref<1x!tpu.dma_semaphore, #tpu.memory_space<semaphore_mem>>
      %dma_wait3A_691 = tpu.memref_squeeze %dma_wait3A_690 : memref<1x!tpu.dma_semaphore, #tpu.memory_space<semaphore_mem>> -> memref<!tpu.dma_semaphore, #tpu.memory_space<semaphore_mem>>
      tpu.wait_indirect_dma semaphore(%dma_wait3A_691 : memref<!tpu.dma_semaphore, #tpu.memory_space<semaphore_mem>>) src(%dma_wait3A_689 : memref<1000000x128xf32, #tpu.memory_space<hbm>>) dst(%dma_wait3A_683 : memref<72x128xf32, #tpu.memory_space<vmem>>)
      %add3A_692 = arith.addi %mul3A_2, %add3A_661 : i32
      %dma_start3A_693 = arith.constant 2 : i32
      %dma_start3A_694 = arith.constant 2 : i32
      %dma_start3A_695 = arith.constant 0 : i32
      %dma_start3A_696 = arith.constant 0 : i32
      %dma_start3A_697 = tpu.memref_slice %arg7[%dma_start3A_693, %dma_start3A_695, %dma_start3A_696] : memref<4x220x128xf32, #tpu.memory_space<vmem>> -> memref<1x220x128xf32, #tpu.memory_space<vmem>>
      %dma_start3A_698 = tpu.memref_squeeze %dma_start3A_697 : memref<1x220x128xf32, #tpu.memory_space<vmem>> -> memref<220x128xf32, #tpu.memory_space<vmem>>
      %dma_start3A_699 = arith.constant 0 : i32
      %dma_start3A_700 = arith.constant 0 : i32
      %dma_start3A_701 = tpu.memref_slice %arg5[%add3A_692, %dma_start3A_699, %dma_start3A_700] : memref<1024x220x128xf32, #tpu.memory_space<hbm>> -> memref<1x220x128xf32, #tpu.memory_space<hbm>>
      %dma_start3A_702 = tpu.memref_squeeze %dma_start3A_701 : memref<1x220x128xf32, #tpu.memory_space<hbm>> -> memref<220x128xf32, #tpu.memory_space<hbm>>
      %dma_start3A_703 = tpu.memref_slice %arg9[%dma_start3A_694] : memref<4x!tpu.dma_semaphore, #tpu.memory_space<semaphore_mem>> -> memref<1x!tpu.dma_semaphore, #tpu.memory_space<semaphore_mem>>
      %dma_start3A_704 = tpu.memref_squeeze %dma_start3A_703 : memref<1x!tpu.dma_semaphore, #tpu.memory_space<semaphore_mem>> -> memref<!tpu.dma_semaphore, #tpu.memory_space<semaphore_mem>>
      %dma_start3A_705 = arith.constant 0 : i32
      %dma_start3A_706 = arith.constant 0 : i32
      %dma_start3A_707 = tpu.memref_slice %arg5[%add3A_692, %dma_start3A_705, %dma_start3A_706] : memref<1024x220x128xf32, #tpu.memory_space<hbm>> -> memref<1x220x128xf32, #tpu.memory_space<hbm>>
      %dma_start3A_708 = tpu.memref_squeeze %dma_start3A_707 : memref<1x220x128xf32, #tpu.memory_space<hbm>> -> memref<220x128xf32, #tpu.memory_space<hbm>>
      %dma_start3A_709 = arith.constant 0 : i32
      %dma_start3A_710 = arith.constant 0 : i32
      %dma_start3A_711 = tpu.memref_slice %arg7[%dma_start3A_693, %dma_start3A_709, %dma_start3A_710] : memref<4x220x128xf32, #tpu.memory_space<vmem>> -> memref<1x220x128xf32, #tpu.memory_space<vmem>>
      %dma_start3A_712 = tpu.memref_squeeze %dma_start3A_711 : memref<1x220x128xf32, #tpu.memory_space<vmem>> -> memref<220x128xf32, #tpu.memory_space<vmem>>
      tpu.enqueue_dma source(%dma_start3A_712 : memref<220x128xf32, #tpu.memory_space<vmem>>) target(%dma_start3A_708 : memref<220x128xf32, #tpu.memory_space<hbm>>) target_semaphore(%dma_start3A_704 : memref<!tpu.dma_semaphore, #tpu.memory_space<semaphore_mem>>)
      %add3A_713 = arith.addi %mul3A_2, %add3A_661 : i32
      %dma_wait3A_714 = arith.constant 2 : i32
      %dma_wait3A_715 = arith.constant 2 : i32
      %dma_wait3A_716 = arith.constant 0 : i32
      %dma_wait3A_717 = arith.constant 0 : i32
      %dma_wait3A_718 = tpu.memref_slice %arg7[%dma_wait3A_714, %dma_wait3A_716, %dma_wait3A_717] : memref<4x220x128xf32, #tpu.memory_space<vmem>> -> memref<1x220x128xf32, #tpu.memory_space<vmem>>
      %dma_wait3A_719 = tpu.memref_squeeze %dma_wait3A_718 : memref<1x220x128xf32, #tpu.memory_space<vmem>> -> memref<220x128xf32, #tpu.memory_space<vmem>>
      %dma_wait3A_720 = arith.constant 0 : i32
      %dma_wait3A_721 = arith.constant 0 : i32
      %dma_wait3A_722 = tpu.memref_slice %arg5[%add3A_713, %dma_wait3A_720, %dma_wait3A_721] : memref<1024x220x128xf32, #tpu.memory_space<hbm>> -> memref<1x220x128xf32, #tpu.memory_space<hbm>>
      %dma_wait3A_723 = tpu.memref_squeeze %dma_wait3A_722 : memref<1x220x128xf32, #tpu.memory_space<hbm>> -> memref<220x128xf32, #tpu.memory_space<hbm>>
      %dma_wait3A_724 = tpu.memref_slice %arg9[%dma_wait3A_715] : memref<4x!tpu.dma_semaphore, #tpu.memory_space<semaphore_mem>> -> memref<1x!tpu.dma_semaphore, #tpu.memory_space<semaphore_mem>>
      %dma_wait3A_725 = tpu.memref_squeeze %dma_wait3A_724 : memref<1x!tpu.dma_semaphore, #tpu.memory_space<semaphore_mem>> -> memref<!tpu.dma_semaphore, #tpu.memory_space<semaphore_mem>>
      %dma_wait3A_726 = arith.constant 0 : i32
      %dma_wait3A_727 = arith.constant 0 : i32
      %dma_wait3A_728 = tpu.memref_slice %arg5[%add3A_713, %dma_wait3A_726, %dma_wait3A_727] : memref<1024x220x128xf32, #tpu.memory_space<hbm>> -> memref<1x220x128xf32, #tpu.memory_space<hbm>>
      %dma_wait3A_729 = tpu.memref_squeeze %dma_wait3A_728 : memref<1x220x128xf32, #tpu.memory_space<hbm>> -> memref<220x128xf32, #tpu.memory_space<hbm>>
      %dma_wait3A_730 = arith.constant 0 : i32
      %dma_wait3A_731 = arith.constant 0 : i32
      %dma_wait3A_732 = tpu.memref_slice %arg7[%dma_wait3A_714, %dma_wait3A_730, %dma_wait3A_731] : memref<4x220x128xf32, #tpu.memory_space<vmem>> -> memref<1x220x128xf32, #tpu.memory_space<vmem>>
      %dma_wait3A_733 = tpu.memref_squeeze %dma_wait3A_732 : memref<1x220x128xf32, #tpu.memory_space<vmem>> -> memref<220x128xf32, #tpu.memory_space<vmem>>
      tpu.wait_dma2 semaphore(%dma_wait3A_725 : memref<!tpu.dma_semaphore, #tpu.memory_space<semaphore_mem>>) src(%dma_wait3A_733 : memref<220x128xf32, #tpu.memory_space<vmem>>) dst(%dma_wait3A_729 : memref<220x128xf32, #tpu.memory_space<hbm>>)
      %add3A_734 = arith.constant 4 : i32
      %add3A_735 = arith.addi %add3A_661, %add3A_734 : i32
      %add3A_736 = arith.addi %mul3A_2, %add3A_735 : i32
      %run_scoped3A_737 = arith.constant 2 : i32
      "tpu.region"() ({
        %run_scoped3A_878 = tpu.sem_alloc : memref<!tpu.dma_semaphore, #tpu.memory_space<semaphore_mem>>
        %dma_start3A_879 = arith.constant 0 : i32
        %dma_start3A_880 = tpu.memref_slice %arg6[%run_scoped3A_737, %dma_start3A_879] : memref<4x200xi32, #tpu.memory_space<vmem>> -> memref<1x200xi32, #tpu.memory_space<vmem>>
        %dma_start3A_881 = tpu.memref_squeeze %dma_start3A_880 : memref<1x200xi32, #tpu.memory_space<vmem>> -> memref<200xi32, #tpu.memory_space<vmem>>
        %dma_start3A_882 = arith.constant 0 : i32
        %dma_start3A_883 = tpu.memref_slice %arg2[%add3A_736, %dma_start3A_882] : memref<1024x200xi32, #tpu.memory_space<hbm>> -> memref<1x200xi32, #tpu.memory_space<hbm>>
        %dma_start3A_884 = tpu.memref_squeeze %dma_start3A_883 : memref<1x200xi32, #tpu.memory_space<hbm>> -> memref<200xi32, #tpu.memory_space<hbm>>
        %dma_start3A_885 = arith.constant 0 : i32
        %dma_start3A_886 = tpu.memref_slice %arg6[%run_scoped3A_737, %dma_start3A_885] : memref<4x200xi32, #tpu.memory_space<vmem>> -> memref<1x200xi32, #tpu.memory_space<vmem>>
        %dma_start3A_887 = tpu.memref_squeeze %dma_start3A_886 : memref<1x200xi32, #tpu.memory_space<vmem>> -> memref<200xi32, #tpu.memory_space<vmem>>
        %dma_start3A_888 = arith.constant 0 : i32
        %dma_start3A_889 = tpu.memref_slice %arg2[%add3A_736, %dma_start3A_888] : memref<1024x200xi32, #tpu.memory_space<hbm>> -> memref<1x200xi32, #tpu.memory_space<hbm>>
        %dma_start3A_890 = tpu.memref_squeeze %dma_start3A_889 : memref<1x200xi32, #tpu.memory_space<hbm>> -> memref<200xi32, #tpu.memory_space<hbm>>
        tpu.enqueue_dma source(%dma_start3A_890 : memref<200xi32, #tpu.memory_space<hbm>>) target(%dma_start3A_887 : memref<200xi32, #tpu.memory_space<vmem>>) target_semaphore(%run_scoped3A_878 : memref<!tpu.dma_semaphore, #tpu.memory_space<semaphore_mem>>)
        %dma_wait3A_891 = arith.constant 0 : i32
        %dma_wait3A_892 = tpu.memref_slice %arg6[%run_scoped3A_737, %dma_wait3A_891] : memref<4x200xi32, #tpu.memory_space<vmem>> -> memref<1x200xi32, #tpu.memory_space<vmem>>
        %dma_wait3A_893 = tpu.memref_squeeze %dma_wait3A_892 : memref<1x200xi32, #tpu.memory_space<vmem>> -> memref<200xi32, #tpu.memory_space<vmem>>
        %dma_wait3A_894 = arith.constant 0 : i32
        %dma_wait3A_895 = tpu.memref_slice %arg2[%add3A_736, %dma_wait3A_894] : memref<1024x200xi32, #tpu.memory_space<hbm>> -> memref<1x200xi32, #tpu.memory_space<hbm>>
        %dma_wait3A_896 = tpu.memref_squeeze %dma_wait3A_895 : memref<1x200xi32, #tpu.memory_space<hbm>> -> memref<200xi32, #tpu.memory_space<hbm>>
        %dma_wait3A_897 = arith.constant 0 : i32
        %dma_wait3A_898 = tpu.memref_slice %arg6[%run_scoped3A_737, %dma_wait3A_897] : memref<4x200xi32, #tpu.memory_space<vmem>> -> memref<1x200xi32, #tpu.memory_space<vmem>>
        %dma_wait3A_899 = tpu.memref_squeeze %dma_wait3A_898 : memref<1x200xi32, #tpu.memory_space<vmem>> -> memref<200xi32, #tpu.memory_space<vmem>>
        %dma_wait3A_900 = arith.constant 0 : i32
        %dma_wait3A_901 = tpu.memref_slice %arg2[%add3A_736, %dma_wait3A_900] : memref<1024x200xi32, #tpu.memory_space<hbm>> -> memref<1x200xi32, #tpu.memory_space<hbm>>
        %dma_wait3A_902 = tpu.memref_squeeze %dma_wait3A_901 : memref<1x200xi32, #tpu.memory_space<hbm>> -> memref<200xi32, #tpu.memory_space<hbm>>
        tpu.wait_dma2 semaphore(%run_scoped3A_878 : memref<!tpu.dma_semaphore, #tpu.memory_space<semaphore_mem>>) src(%dma_wait3A_902 : memref<200xi32, #tpu.memory_space<hbm>>) dst(%dma_wait3A_899 : memref<200xi32, #tpu.memory_space<vmem>>)
        tpu.yield
      }) : () -> ()
      %dma_start3A_738 = arith.constant 2 : i32
      %dma_start3A_739 = arith.constant 2 : i32
      %dma_start3A_740 = arith.constant 2 : i32
      %dma_start3A_741 = arith.constant 20 : i32
      %dma_start3A_742 = arith.constant 0 : i32
      %dma_start3A_743 = tpu.memref_slice %arg7[%dma_start3A_739, %dma_start3A_741, %dma_start3A_742] : memref<4x220x128xf32, #tpu.memory_space<vmem>> -> memref<1x128x128xf32, #tpu.memory_space<vmem>>
      %dma_start3A_744 = tpu.memref_squeeze %dma_start3A_743 : memref<1x128x128xf32, #tpu.memory_space<vmem>> -> memref<128x128xf32, #tpu.memory_space<vmem>>
      %dma_start3A_745 = arith.constant 0 : i32
      %dma_start3A_746 = tpu.memref_slice %arg6[%dma_start3A_738, %dma_start3A_745] : memref<4x200xi32, #tpu.memory_space<vmem>> -> memref<1x128xi32, #tpu.memory_space<vmem>>
      %dma_start3A_747 = tpu.memref_squeeze %dma_start3A_746 : memref<1x128xi32, #tpu.memory_space<vmem>> -> memref<128xi32, #tpu.memory_space<vmem>>
      %dma_start3A_748 = arith.constant 0 : i32
      %dma_start3A_749 = arith.constant 0 : i32
      %dma_start3A_750 = tpu.memref_slice %arg3[%dma_start3A_748, %dma_start3A_749] : memref<1000000x128xf32, #tpu.memory_space<hbm>> -> memref<1000000x128xf32, #tpu.memory_space<hbm>>
      %dma_start3A_751 = tpu.memref_slice %arg8[%dma_start3A_740] : memref<4x!tpu.dma_semaphore, #tpu.memory_space<semaphore_mem>> -> memref<1x!tpu.dma_semaphore, #tpu.memory_space<semaphore_mem>>
      %dma_start3A_752 = tpu.memref_squeeze %dma_start3A_751 : memref<1x!tpu.dma_semaphore, #tpu.memory_space<semaphore_mem>> -> memref<!tpu.dma_semaphore, #tpu.memory_space<semaphore_mem>>
      tpu.enqueue_indirect_dma source(%dma_start3A_750 : memref<1000000x128xf32, #tpu.memory_space<hbm>>) target(%dma_start3A_744 : memref<128x128xf32, #tpu.memory_space<vmem>>) offsets(%dma_start3A_747 : memref<128xi32, #tpu.memory_space<vmem>>) semaphore(%dma_start3A_752 : memref<!tpu.dma_semaphore, #tpu.memory_space<semaphore_mem>>)
      %dma_start3A_753 = arith.constant 2 : i32
      %dma_start3A_754 = arith.constant 2 : i32
      %dma_start3A_755 = arith.constant 2 : i32
      %dma_start3A_756 = arith.constant 148 : i32
      %dma_start3A_757 = arith.constant 0 : i32
      %dma_start3A_758 = tpu.memref_slice %arg7[%dma_start3A_754, %dma_start3A_756, %dma_start3A_757] : memref<4x220x128xf32, #tpu.memory_space<vmem>> -> memref<1x72x128xf32, #tpu.memory_space<vmem>>
      %dma_start3A_759 = tpu.memref_squeeze %dma_start3A_758 : memref<1x72x128xf32, #tpu.memory_space<vmem>> -> memref<72x128xf32, #tpu.memory_space<vmem>>
      %dma_start3A_760 = arith.constant 128 : i32
      %dma_start3A_761 = tpu.memref_slice %arg6[%dma_start3A_753, %dma_start3A_760] : memref<4x200xi32, #tpu.memory_space<vmem>> -> memref<1x72xi32, #tpu.memory_space<vmem>>
      %dma_start3A_762 = tpu.memref_squeeze %dma_start3A_761 : memref<1x72xi32, #tpu.memory_space<vmem>> -> memref<72xi32, #tpu.memory_space<vmem>>
      %dma_start3A_763 = arith.constant 0 : i32
      %dma_start3A_764 = arith.constant 0 : i32
      %dma_start3A_765 = tpu.memref_slice %arg3[%dma_start3A_763, %dma_start3A_764] : memref<1000000x128xf32, #tpu.memory_space<hbm>> -> memref<1000000x128xf32, #tpu.memory_space<hbm>>
      %dma_start3A_766 = tpu.memref_slice %arg8[%dma_start3A_755] : memref<4x!tpu.dma_semaphore, #tpu.memory_space<semaphore_mem>> -> memref<1x!tpu.dma_semaphore, #tpu.memory_space<semaphore_mem>>
      %dma_start3A_767 = tpu.memref_squeeze %dma_start3A_766 : memref<1x!tpu.dma_semaphore, #tpu.memory_space<semaphore_mem>> -> memref<!tpu.dma_semaphore, #tpu.memory_space<semaphore_mem>>
      tpu.enqueue_indirect_dma source(%dma_start3A_765 : memref<1000000x128xf32, #tpu.memory_space<hbm>>) target(%dma_start3A_759 : memref<72x128xf32, #tpu.memory_space<vmem>>) offsets(%dma_start3A_762 : memref<72xi32, #tpu.memory_space<vmem>>) semaphore(%dma_start3A_767 : memref<!tpu.dma_semaphore, #tpu.memory_space<semaphore_mem>>)
      %mul3A_768 = arith.constant 4 : i32
      %mul3A_769 = arith.muli %scan3A_437, %mul3A_768 : i32
      %add3A_770 = arith.constant 3 : i32
      %add3A_771 = arith.addi %mul3A_769, %add3A_770 : i32
      %dma_wait3A_772 = arith.constant 3 : i32
      %dma_wait3A_773 = arith.constant 3 : i32
      %dma_wait3A_774 = arith.constant 3 : i32
      %dma_wait3A_775 = arith.constant 20 : i32
      %dma_wait3A_776 = arith.constant 0 : i32
      %dma_wait3A_777 = tpu.memref_slice %arg7[%dma_wait3A_773, %dma_wait3A_775, %dma_wait3A_776] : memref<4x220x128xf32, #tpu.memory_space<vmem>> -> memref<1x128x128xf32, #tpu.memory_space<vmem>>
      %dma_wait3A_778 = tpu.memref_squeeze %dma_wait3A_777 : memref<1x128x128xf32, #tpu.memory_space<vmem>> -> memref<128x128xf32, #tpu.memory_space<vmem>>
      %dma_wait3A_779 = arith.constant 0 : i32
      %dma_wait3A_780 = tpu.memref_slice %arg6[%dma_wait3A_772, %dma_wait3A_779] : memref<4x200xi32, #tpu.memory_space<vmem>> -> memref<1x128xi32, #tpu.memory_space<vmem>>
      %dma_wait3A_781 = tpu.memref_squeeze %dma_wait3A_780 : memref<1x128xi32, #tpu.memory_space<vmem>> -> memref<128xi32, #tpu.memory_space<vmem>>
      %dma_wait3A_782 = arith.constant 0 : i32
      %dma_wait3A_783 = arith.constant 0 : i32
      %dma_wait3A_784 = tpu.memref_slice %arg3[%dma_wait3A_782, %dma_wait3A_783] : memref<1000000x128xf32, #tpu.memory_space<hbm>> -> memref<1000000x128xf32, #tpu.memory_space<hbm>>
      %dma_wait3A_785 = tpu.memref_slice %arg8[%dma_wait3A_774] : memref<4x!tpu.dma_semaphore, #tpu.memory_space<semaphore_mem>> -> memref<1x!tpu.dma_semaphore, #tpu.memory_space<semaphore_mem>>
      %dma_wait3A_786 = tpu.memref_squeeze %dma_wait3A_785 : memref<1x!tpu.dma_semaphore, #tpu.memory_space<semaphore_mem>> -> memref<!tpu.dma_semaphore, #tpu.memory_space<semaphore_mem>>
      tpu.wait_indirect_dma semaphore(%dma_wait3A_786 : memref<!tpu.dma_semaphore, #tpu.memory_space<semaphore_mem>>) src(%dma_wait3A_784 : memref<1000000x128xf32, #tpu.memory_space<hbm>>) dst(%dma_wait3A_778 : memref<128x128xf32, #tpu.memory_space<vmem>>)
      %dma_wait3A_787 = arith.constant 3 : i32
      %dma_wait3A_788 = arith.constant 3 : i32
      %dma_wait3A_789 = arith.constant 3 : i32
      %dma_wait3A_790 = arith.constant 148 : i32
      %dma_wait3A_791 = arith.constant 0 : i32
      %dma_wait3A_792 = tpu.memref_slice %arg7[%dma_wait3A_788, %dma_wait3A_790, %dma_wait3A_791] : memref<4x220x128xf32, #tpu.memory_space<vmem>> -> memref<1x72x128xf32, #tpu.memory_space<vmem>>
      %dma_wait3A_793 = tpu.memref_squeeze %dma_wait3A_792 : memref<1x72x128xf32, #tpu.memory_space<vmem>> -> memref<72x128xf32, #tpu.memory_space<vmem>>
      %dma_wait3A_794 = arith.constant 128 : i32
      %dma_wait3A_795 = tpu.memref_slice %arg6[%dma_wait3A_787, %dma_wait3A_794] : memref<4x200xi32, #tpu.memory_space<vmem>> -> memref<1x72xi32, #tpu.memory_space<vmem>>
      %dma_wait3A_796 = tpu.memref_squeeze %dma_wait3A_795 : memref<1x72xi32, #tpu.memory_space<vmem>> -> memref<72xi32, #tpu.memory_space<vmem>>
      %dma_wait3A_797 = arith.constant 0 : i32
      %dma_wait3A_798 = arith.constant 0 : i32
      %dma_wait3A_799 = tpu.memref_slice %arg3[%dma_wait3A_797, %dma_wait3A_798] : memref<1000000x128xf32, #tpu.memory_space<hbm>> -> memref<1000000x128xf32, #tpu.memory_space<hbm>>
      %dma_wait3A_800 = tpu.memref_slice %arg8[%dma_wait3A_789] : memref<4x!tpu.dma_semaphore, #tpu.memory_space<semaphore_mem>> -> memref<1x!tpu.dma_semaphore, #tpu.memory_space<semaphore_mem>>
      %dma_wait3A_801 = tpu.memref_squeeze %dma_wait3A_800 : memref<1x!tpu.dma_semaphore, #tpu.memory_space<semaphore_mem>> -> memref<!tpu.dma_semaphore, #tpu.memory_space<semaphore_mem>>
      tpu.wait_indirect_dma semaphore(%dma_wait3A_801 : memref<!tpu.dma_semaphore, #tpu.memory_space<semaphore_mem>>) src(%dma_wait3A_799 : memref<1000000x128xf32, #tpu.memory_space<hbm>>) dst(%dma_wait3A_793 : memref<72x128xf32, #tpu.memory_space<vmem>>)
      %add3A_802 = arith.addi %mul3A_2, %add3A_771 : i32
      %dma_start3A_803 = arith.constant 3 : i32
      %dma_start3A_804 = arith.constant 3 : i32
      %dma_start3A_805 = arith.constant 0 : i32
      %dma_start3A_806 = arith.constant 0 : i32
      %dma_start3A_807 = tpu.memref_slice %arg7[%dma_start3A_803, %dma_start3A_805, %dma_start3A_806] : memref<4x220x128xf32, #tpu.memory_space<vmem>> -> memref<1x220x128xf32, #tpu.memory_space<vmem>>
      %dma_start3A_808 = tpu.memref_squeeze %dma_start3A_807 : memref<1x220x128xf32, #tpu.memory_space<vmem>> -> memref<220x128xf32, #tpu.memory_space<vmem>>
      %dma_start3A_809 = arith.constant 0 : i32
      %dma_start3A_810 = arith.constant 0 : i32
      %dma_start3A_811 = tpu.memref_slice %arg5[%add3A_802, %dma_start3A_809, %dma_start3A_810] : memref<1024x220x128xf32, #tpu.memory_space<hbm>> -> memref<1x220x128xf32, #tpu.memory_space<hbm>>
      %dma_start3A_812 = tpu.memref_squeeze %dma_start3A_811 : memref<1x220x128xf32, #tpu.memory_space<hbm>> -> memref<220x128xf32, #tpu.memory_space<hbm>>
      %dma_start3A_813 = tpu.memref_slice %arg9[%dma_start3A_804] : memref<4x!tpu.dma_semaphore, #tpu.memory_space<semaphore_mem>> -> memref<1x!tpu.dma_semaphore, #tpu.memory_space<semaphore_mem>>
      %dma_start3A_814 = tpu.memref_squeeze %dma_start3A_813 : memref<1x!tpu.dma_semaphore, #tpu.memory_space<semaphore_mem>> -> memref<!tpu.dma_semaphore, #tpu.memory_space<semaphore_mem>>
      %dma_start3A_815 = arith.constant 0 : i32
      %dma_start3A_816 = arith.constant 0 : i32
      %dma_start3A_817 = tpu.memref_slice %arg5[%add3A_802, %dma_start3A_815, %dma_start3A_816] : memref<1024x220x128xf32, #tpu.memory_space<hbm>> -> memref<1x220x128xf32, #tpu.memory_space<hbm>>
      %dma_start3A_818 = tpu.memref_squeeze %dma_start3A_817 : memref<1x220x128xf32, #tpu.memory_space<hbm>> -> memref<220x128xf32, #tpu.memory_space<hbm>>
      %dma_start3A_819 = arith.constant 0 : i32
      %dma_start3A_820 = arith.constant 0 : i32
      %dma_start3A_821 = tpu.memref_slice %arg7[%dma_start3A_803, %dma_start3A_819, %dma_start3A_820] : memref<4x220x128xf32, #tpu.memory_space<vmem>> -> memref<1x220x128xf32, #tpu.memory_space<vmem>>
      %dma_start3A_822 = tpu.memref_squeeze %dma_start3A_821 : memref<1x220x128xf32, #tpu.memory_space<vmem>> -> memref<220x128xf32, #tpu.memory_space<vmem>>
      tpu.enqueue_dma source(%dma_start3A_822 : memref<220x128xf32, #tpu.memory_space<vmem>>) target(%dma_start3A_818 : memref<220x128xf32, #tpu.memory_space<hbm>>) target_semaphore(%dma_start3A_814 : memref<!tpu.dma_semaphore, #tpu.memory_space<semaphore_mem>>)
      %add3A_823 = arith.addi %mul3A_2, %add3A_771 : i32
      %dma_wait3A_824 = arith.constant 3 : i32
      %dma_wait3A_825 = arith.constant 3 : i32
      %dma_wait3A_826 = arith.constant 0 : i32
      %dma_wait3A_827 = arith.constant 0 : i32
      %dma_wait3A_828 = tpu.memref_slice %arg7[%dma_wait3A_824, %dma_wait3A_826, %dma_wait3A_827] : memref<4x220x128xf32, #tpu.memory_space<vmem>> -> memref<1x220x128xf32, #tpu.memory_space<vmem>>
      %dma_wait3A_829 = tpu.memref_squeeze %dma_wait3A_828 : memref<1x220x128xf32, #tpu.memory_space<vmem>> -> memref<220x128xf32, #tpu.memory_space<vmem>>
      %dma_wait3A_830 = arith.constant 0 : i32
      %dma_wait3A_831 = arith.constant 0 : i32
      %dma_wait3A_832 = tpu.memref_slice %arg5[%add3A_823, %dma_wait3A_830, %dma_wait3A_831] : memref<1024x220x128xf32, #tpu.memory_space<hbm>> -> memref<1x220x128xf32, #tpu.memory_space<hbm>>
      %dma_wait3A_833 = tpu.memref_squeeze %dma_wait3A_832 : memref<1x220x128xf32, #tpu.memory_space<hbm>> -> memref<220x128xf32, #tpu.memory_space<hbm>>
      %dma_wait3A_834 = tpu.memref_slice %arg9[%dma_wait3A_825] : memref<4x!tpu.dma_semaphore, #tpu.memory_space<semaphore_mem>> -> memref<1x!tpu.dma_semaphore, #tpu.memory_space<semaphore_mem>>
      %dma_wait3A_835 = tpu.memref_squeeze %dma_wait3A_834 : memref<1x!tpu.dma_semaphore, #tpu.memory_space<semaphore_mem>> -> memref<!tpu.dma_semaphore, #tpu.memory_space<semaphore_mem>>
      %dma_wait3A_836 = arith.constant 0 : i32
      %dma_wait3A_837 = arith.constant 0 : i32
      %dma_wait3A_838 = tpu.memref_slice %arg5[%add3A_823, %dma_wait3A_836, %dma_wait3A_837] : memref<1024x220x128xf32, #tpu.memory_space<hbm>> -> memref<1x220x128xf32, #tpu.memory_space<hbm>>
      %dma_wait3A_839 = tpu.memref_squeeze %dma_wait3A_838 : memref<1x220x128xf32, #tpu.memory_space<hbm>> -> memref<220x128xf32, #tpu.memory_space<hbm>>
      %dma_wait3A_840 = arith.constant 0 : i32
      %dma_wait3A_841 = arith.constant 0 : i32
      %dma_wait3A_842 = tpu.memref_slice %arg7[%dma_wait3A_824, %dma_wait3A_840, %dma_wait3A_841] : memref<4x220x128xf32, #tpu.memory_space<vmem>> -> memref<1x220x128xf32, #tpu.memory_space<vmem>>
      %dma_wait3A_843 = tpu.memref_squeeze %dma_wait3A_842 : memref<1x220x128xf32, #tpu.memory_space<vmem>> -> memref<220x128xf32, #tpu.memory_space<vmem>>
      tpu.wait_dma2 semaphore(%dma_wait3A_835 : memref<!tpu.dma_semaphore, #tpu.memory_space<semaphore_mem>>) src(%dma_wait3A_843 : memref<220x128xf32, #tpu.memory_space<vmem>>) dst(%dma_wait3A_839 : memref<220x128xf32, #tpu.memory_space<hbm>>)
      %add3A_844 = arith.constant 4 : i32
      %add3A_845 = arith.addi %add3A_771, %add3A_844 : i32
      %add3A_846 = arith.addi %mul3A_2, %add3A_845 : i32
      %run_scoped3A_847 = arith.constant 3 : i32
      "tpu.region"() ({
        %run_scoped3A_878 = tpu.sem_alloc : memref<!tpu.dma_semaphore, #tpu.memory_space<semaphore_mem>>
        %dma_start3A_879 = arith.constant 0 : i32
        %dma_start3A_880 = tpu.memref_slice %arg6[%run_scoped3A_847, %dma_start3A_879] : memref<4x200xi32, #tpu.memory_space<vmem>> -> memref<1x200xi32, #tpu.memory_space<vmem>>
        %dma_start3A_881 = tpu.memref_squeeze %dma_start3A_880 : memref<1x200xi32, #tpu.memory_space<vmem>> -> memref<200xi32, #tpu.memory_space<vmem>>
        %dma_start3A_882 = arith.constant 0 : i32
        %dma_start3A_883 = tpu.memref_slice %arg2[%add3A_846, %dma_start3A_882] : memref<1024x200xi32, #tpu.memory_space<hbm>> -> memref<1x200xi32, #tpu.memory_space<hbm>>
        %dma_start3A_884 = tpu.memref_squeeze %dma_start3A_883 : memref<1x200xi32, #tpu.memory_space<hbm>> -> memref<200xi32, #tpu.memory_space<hbm>>
        %dma_start3A_885 = arith.constant 0 : i32
        %dma_start3A_886 = tpu.memref_slice %arg6[%run_scoped3A_847, %dma_start3A_885] : memref<4x200xi32, #tpu.memory_space<vmem>> -> memref<1x200xi32, #tpu.memory_space<vmem>>
        %dma_start3A_887 = tpu.memref_squeeze %dma_start3A_886 : memref<1x200xi32, #tpu.memory_space<vmem>> -> memref<200xi32, #tpu.memory_space<vmem>>
        %dma_start3A_888 = arith.constant 0 : i32
        %dma_start3A_889 = tpu.memref_slice %arg2[%add3A_846, %dma_start3A_888] : memref<1024x200xi32, #tpu.memory_space<hbm>> -> memref<1x200xi32, #tpu.memory_space<hbm>>
        %dma_start3A_890 = tpu.memref_squeeze %dma_start3A_889 : memref<1x200xi32, #tpu.memory_space<hbm>> -> memref<200xi32, #tpu.memory_space<hbm>>
        tpu.enqueue_dma source(%dma_start3A_890 : memref<200xi32, #tpu.memory_space<hbm>>) target(%dma_start3A_887 : memref<200xi32, #tpu.memory_space<vmem>>) target_semaphore(%run_scoped3A_878 : memref<!tpu.dma_semaphore, #tpu.memory_space<semaphore_mem>>)
        %dma_wait3A_891 = arith.constant 0 : i32
        %dma_wait3A_892 = tpu.memref_slice %arg6[%run_scoped3A_847, %dma_wait3A_891] : memref<4x200xi32, #tpu.memory_space<vmem>> -> memref<1x200xi32, #tpu.memory_space<vmem>>
        %dma_wait3A_893 = tpu.memref_squeeze %dma_wait3A_892 : memref<1x200xi32, #tpu.memory_space<vmem>> -> memref<200xi32, #tpu.memory_space<vmem>>
        %dma_wait3A_894 = arith.constant 0 : i32
        %dma_wait3A_895 = tpu.memref_slice %arg2[%add3A_846, %dma_wait3A_894] : memref<1024x200xi32, #tpu.memory_space<hbm>> -> memref<1x200xi32, #tpu.memory_space<hbm>>
        %dma_wait3A_896 = tpu.memref_squeeze %dma_wait3A_895 : memref<1x200xi32, #tpu.memory_space<hbm>> -> memref<200xi32, #tpu.memory_space<hbm>>
        %dma_wait3A_897 = arith.constant 0 : i32
        %dma_wait3A_898 = tpu.memref_slice %arg6[%run_scoped3A_847, %dma_wait3A_897] : memref<4x200xi32, #tpu.memory_space<vmem>> -> memref<1x200xi32, #tpu.memory_space<vmem>>
        %dma_wait3A_899 = tpu.memref_squeeze %dma_wait3A_898 : memref<1x200xi32, #tpu.memory_space<vmem>> -> memref<200xi32, #tpu.memory_space<vmem>>
        %dma_wait3A_900 = arith.constant 0 : i32
        %dma_wait3A_901 = tpu.memref_slice %arg2[%add3A_846, %dma_wait3A_900] : memref<1024x200xi32, #tpu.memory_space<hbm>> -> memref<1x200xi32, #tpu.memory_space<hbm>>
        %dma_wait3A_902 = tpu.memref_squeeze %dma_wait3A_901 : memref<1x200xi32, #tpu.memory_space<hbm>> -> memref<200xi32, #tpu.memory_space<hbm>>
        tpu.wait_dma2 semaphore(%run_scoped3A_878 : memref<!tpu.dma_semaphore, #tpu.memory_space<semaphore_mem>>) src(%dma_wait3A_902 : memref<200xi32, #tpu.memory_space<hbm>>) dst(%dma_wait3A_899 : memref<200xi32, #tpu.memory_space<vmem>>)
        tpu.yield
      }) : () -> ()
      %dma_start3A_848 = arith.constant 3 : i32
      %dma_start3A_849 = arith.constant 3 : i32
      %dma_start3A_850 = arith.constant 3 : i32
      %dma_start3A_851 = arith.constant 20 : i32
      %dma_start3A_852 = arith.constant 0 : i32
      %dma_start3A_853 = tpu.memref_slice %arg7[%dma_start3A_849, %dma_start3A_851, %dma_start3A_852] : memref<4x220x128xf32, #tpu.memory_space<vmem>> -> memref<1x128x128xf32, #tpu.memory_space<vmem>>
      %dma_start3A_854 = tpu.memref_squeeze %dma_start3A_853 : memref<1x128x128xf32, #tpu.memory_space<vmem>> -> memref<128x128xf32, #tpu.memory_space<vmem>>
      %dma_start3A_855 = arith.constant 0 : i32
      %dma_start3A_856 = tpu.memref_slice %arg6[%dma_start3A_848, %dma_start3A_855] : memref<4x200xi32, #tpu.memory_space<vmem>> -> memref<1x128xi32, #tpu.memory_space<vmem>>
      %dma_start3A_857 = tpu.memref_squeeze %dma_start3A_856 : memref<1x128xi32, #tpu.memory_space<vmem>> -> memref<128xi32, #tpu.memory_space<vmem>>
      %dma_start3A_858 = arith.constant 0 : i32
      %dma_start3A_859 = arith.constant 0 : i32
      %dma_start3A_860 = tpu.memref_slice %arg3[%dma_start3A_858, %dma_start3A_859] : memref<1000000x128xf32, #tpu.memory_space<hbm>> -> memref<1000000x128xf32, #tpu.memory_space<hbm>>
      %dma_start3A_861 = tpu.memref_slice %arg8[%dma_start3A_850] : memref<4x!tpu.dma_semaphore, #tpu.memory_space<semaphore_mem>> -> memref<1x!tpu.dma_semaphore, #tpu.memory_space<semaphore_mem>>
      %dma_start3A_862 = tpu.memref_squeeze %dma_start3A_861 : memref<1x!tpu.dma_semaphore, #tpu.memory_space<semaphore_mem>> -> memref<!tpu.dma_semaphore, #tpu.memory_space<semaphore_mem>>
      tpu.enqueue_indirect_dma source(%dma_start3A_860 : memref<1000000x128xf32, #tpu.memory_space<hbm>>) target(%dma_start3A_854 : memref<128x128xf32, #tpu.memory_space<vmem>>) offsets(%dma_start3A_857 : memref<128xi32, #tpu.memory_space<vmem>>) semaphore(%dma_start3A_862 : memref<!tpu.dma_semaphore, #tpu.memory_space<semaphore_mem>>)
      %dma_start3A_863 = arith.constant 3 : i32
      %dma_start3A_864 = arith.constant 3 : i32
      %dma_start3A_865 = arith.constant 3 : i32
      %dma_start3A_866 = arith.constant 148 : i32
      %dma_start3A_867 = arith.constant 0 : i32
      %dma_start3A_868 = tpu.memref_slice %arg7[%dma_start3A_864, %dma_start3A_866, %dma_start3A_867] : memref<4x220x128xf32, #tpu.memory_space<vmem>> -> memref<1x72x128xf32, #tpu.memory_space<vmem>>
      %dma_start3A_869 = tpu.memref_squeeze %dma_start3A_868 : memref<1x72x128xf32, #tpu.memory_space<vmem>> -> memref<72x128xf32, #tpu.memory_space<vmem>>
      %dma_start3A_870 = arith.constant 128 : i32
      %dma_start3A_871 = tpu.memref_slice %arg6[%dma_start3A_863, %dma_start3A_870] : memref<4x200xi32, #tpu.memory_space<vmem>> -> memref<1x72xi32, #tpu.memory_space<vmem>>
      %dma_start3A_872 = tpu.memref_squeeze %dma_start3A_871 : memref<1x72xi32, #tpu.memory_space<vmem>> -> memref<72xi32, #tpu.memory_space<vmem>>
      %dma_start3A_873 = arith.constant 0 : i32
      %dma_start3A_874 = arith.constant 0 : i32
      %dma_start3A_875 = tpu.memref_slice %arg3[%dma_start3A_873, %dma_start3A_874] : memref<1000000x128xf32, #tpu.memory_space<hbm>> -> memref<1000000x128xf32, #tpu.memory_space<hbm>>
      %dma_start3A_876 = tpu.memref_slice %arg8[%dma_start3A_865] : memref<4x!tpu.dma_semaphore, #tpu.memory_space<semaphore_mem>> -> memref<1x!tpu.dma_semaphore, #tpu.memory_space<semaphore_mem>>
      %dma_start3A_877 = tpu.memref_squeeze %dma_start3A_876 : memref<1x!tpu.dma_semaphore, #tpu.memory_space<semaphore_mem>> -> memref<!tpu.dma_semaphore, #tpu.memory_space<semaphore_mem>>
      tpu.enqueue_indirect_dma source(%dma_start3A_875 : memref<1000000x128xf32, #tpu.memory_space<hbm>>) target(%dma_start3A_869 : memref<72x128xf32, #tpu.memory_space<vmem>>) offsets(%dma_start3A_872 : memref<72xi32, #tpu.memory_space<vmem>>) semaphore(%dma_start3A_877 : memref<!tpu.dma_semaphore, #tpu.memory_space<semaphore_mem>>)
    }
    %scan3A_141 = arith.constant 7 : i32
    %dma_wait3A = arith.constant 0 : i32
    %dma_wait3A_142 = arith.constant 0 : i32
    %dma_wait3A_143 = arith.constant 0 : i32
    %dma_wait3A_144 = arith.constant 20 : i32
    %dma_wait3A_145 = arith.constant 0 : i32
    %dma_wait3A_146 = tpu.memref_slice %arg7[%dma_wait3A_142, %dma_wait3A_144, %dma_wait3A_145] : memref<4x220x128xf32, #tpu.memory_space<vmem>> -> memref<1x128x128xf32, #tpu.memory_space<vmem>>
    %dma_wait3A_147 = tpu.memref_squeeze %dma_wait3A_146 : memref<1x128x128xf32, #tpu.memory_space<vmem>> -> memref<128x128xf32, #tpu.memory_space<vmem>>
    %dma_wait3A_148 = arith.constant 0 : i32
    %dma_wait3A_149 = tpu.memref_slice %arg6[%dma_wait3A, %dma_wait3A_148] : memref<4x200xi32, #tpu.memory_space<vmem>> -> memref<1x128xi32, #tpu.memory_space<vmem>>
    %dma_wait3A_150 = tpu.memref_squeeze %dma_wait3A_149 : memref<1x128xi32, #tpu.memory_space<vmem>> -> memref<128xi32, #tpu.memory_space<vmem>>
    %dma_wait3A_151 = arith.constant 0 : i32
    %dma_wait3A_152 = arith.constant 0 : i32
    %dma_wait3A_153 = tpu.memref_slice %arg3[%dma_wait3A_151, %dma_wait3A_152] : memref<1000000x128xf32, #tpu.memory_space<hbm>> -> memref<1000000x128xf32, #tpu.memory_space<hbm>>
    %dma_wait3A_154 = tpu.memref_slice %arg8[%dma_wait3A_143] : memref<4x!tpu.dma_semaphore, #tpu.memory_space<semaphore_mem>> -> memref<1x!tpu.dma_semaphore, #tpu.memory_space<semaphore_mem>>
    %dma_wait3A_155 = tpu.memref_squeeze %dma_wait3A_154 : memref<1x!tpu.dma_semaphore, #tpu.memory_space<semaphore_mem>> -> memref<!tpu.dma_semaphore, #tpu.memory_space<semaphore_mem>>
    tpu.wait_indirect_dma semaphore(%dma_wait3A_155 : memref<!tpu.dma_semaphore, #tpu.memory_space<semaphore_mem>>) src(%dma_wait3A_153 : memref<1000000x128xf32, #tpu.memory_space<hbm>>) dst(%dma_wait3A_147 : memref<128x128xf32, #tpu.memory_space<vmem>>)
    %dma_wait3A_156 = arith.constant 0 : i32
    %dma_wait3A_157 = arith.constant 0 : i32
    %dma_wait3A_158 = arith.constant 0 : i32
    %dma_wait3A_159 = arith.constant 148 : i32
    %dma_wait3A_160 = arith.constant 0 : i32
    %dma_wait3A_161 = tpu.memref_slice %arg7[%dma_wait3A_157, %dma_wait3A_159, %dma_wait3A_160] : memref<4x220x128xf32, #tpu.memory_space<vmem>> -> memref<1x72x128xf32, #tpu.memory_space<vmem>>
    %dma_wait3A_162 = tpu.memref_squeeze %dma_wait3A_161 : memref<1x72x128xf32, #tpu.memory_space<vmem>> -> memref<72x128xf32, #tpu.memory_space<vmem>>
    %dma_wait3A_163 = arith.constant 128 : i32
    %dma_wait3A_164 = tpu.memref_slice %arg6[%dma_wait3A_156, %dma_wait3A_163] : memref<4x200xi32, #tpu.memory_space<vmem>> -> memref<1x72xi32, #tpu.memory_space<vmem>>
    %dma_wait3A_165 = tpu.memref_squeeze %dma_wait3A_164 : memref<1x72xi32, #tpu.memory_space<vmem>> -> memref<72xi32, #tpu.memory_space<vmem>>
    %dma_wait3A_166 = arith.constant 0 : i32
    %dma_wait3A_167 = arith.constant 0 : i32
    %dma_wait3A_168 = tpu.memref_slice %arg3[%dma_wait3A_166, %dma_wait3A_167] : memref<1000000x128xf32, #tpu.memory_space<hbm>> -> memref<1000000x128xf32, #tpu.memory_space<hbm>>
    %dma_wait3A_169 = tpu.memref_slice %arg8[%dma_wait3A_158] : memref<4x!tpu.dma_semaphore, #tpu.memory_space<semaphore_mem>> -> memref<1x!tpu.dma_semaphore, #tpu.memory_space<semaphore_mem>>
    %dma_wait3A_170 = tpu.memref_squeeze %dma_wait3A_169 : memref<1x!tpu.dma_semaphore, #tpu.memory_space<semaphore_mem>> -> memref<!tpu.dma_semaphore, #tpu.memory_space<semaphore_mem>>
    tpu.wait_indirect_dma semaphore(%dma_wait3A_170 : memref<!tpu.dma_semaphore, #tpu.memory_space<semaphore_mem>>) src(%dma_wait3A_168 : memref<1000000x128xf32, #tpu.memory_space<hbm>>) dst(%dma_wait3A_162 : memref<72x128xf32, #tpu.memory_space<vmem>>)
    %add3A_171 = arith.constant 28 : i32
    %add3A_172 = arith.addi %mul3A_2, %add3A_171 : i32
    %dma_start3A_173 = arith.constant 0 : i32
    %dma_start3A_174 = arith.constant 0 : i32
    %dma_start3A_175 = arith.constant 0 : i32
    %dma_start3A_176 = arith.constant 0 : i32
    %dma_start3A_177 = tpu.memref_slice %arg7[%dma_start3A_173, %dma_start3A_175, %dma_start3A_176] : memref<4x220x128xf32, #tpu.memory_space<vmem>> -> memref<1x220x128xf32, #tpu.memory_space<vmem>>
    %dma_start3A_178 = tpu.memref_squeeze %dma_start3A_177 : memref<1x220x128xf32, #tpu.memory_space<vmem>> -> memref<220x128xf32, #tpu.memory_space<vmem>>
    %dma_start3A_179 = arith.constant 0 : i32
    %dma_start3A_180 = arith.constant 0 : i32
    %dma_start3A_181 = tpu.memref_slice %arg5[%add3A_172, %dma_start3A_179, %dma_start3A_180] : memref<1024x220x128xf32, #tpu.memory_space<hbm>> -> memref<1x220x128xf32, #tpu.memory_space<hbm>>
    %dma_start3A_182 = tpu.memref_squeeze %dma_start3A_181 : memref<1x220x128xf32, #tpu.memory_space<hbm>> -> memref<220x128xf32, #tpu.memory_space<hbm>>
    %dma_start3A_183 = tpu.memref_slice %arg9[%dma_start3A_174] : memref<4x!tpu.dma_semaphore, #tpu.memory_space<semaphore_mem>> -> memref<1x!tpu.dma_semaphore, #tpu.memory_space<semaphore_mem>>
    %dma_start3A_184 = tpu.memref_squeeze %dma_start3A_183 : memref<1x!tpu.dma_semaphore, #tpu.memory_space<semaphore_mem>> -> memref<!tpu.dma_semaphore, #tpu.memory_space<semaphore_mem>>
    %dma_start3A_185 = arith.constant 0 : i32
    %dma_start3A_186 = arith.constant 0 : i32
    %dma_start3A_187 = tpu.memref_slice %arg5[%add3A_172, %dma_start3A_185, %dma_start3A_186] : memref<1024x220x128xf32, #tpu.memory_space<hbm>> -> memref<1x220x128xf32, #tpu.memory_space<hbm>>
    %dma_start3A_188 = tpu.memref_squeeze %dma_start3A_187 : memref<1x220x128xf32, #tpu.memory_space<hbm>> -> memref<220x128xf32, #tpu.memory_space<hbm>>
    %dma_start3A_189 = arith.constant 0 : i32
    %dma_start3A_190 = arith.constant 0 : i32
    %dma_start3A_191 = tpu.memref_slice %arg7[%dma_start3A_173, %dma_start3A_189, %dma_start3A_190] : memref<4x220x128xf32, #tpu.memory_space<vmem>> -> memref<1x220x128xf32, #tpu.memory_space<vmem>>
    %dma_start3A_192 = tpu.memref_squeeze %dma_start3A_191 : memref<1x220x128xf32, #tpu.memory_space<vmem>> -> memref<220x128xf32, #tpu.memory_space<vmem>>
    tpu.enqueue_dma source(%dma_start3A_192 : memref<220x128xf32, #tpu.memory_space<vmem>>) target(%dma_start3A_188 : memref<220x128xf32, #tpu.memory_space<hbm>>) target_semaphore(%dma_start3A_184 : memref<!tpu.dma_semaphore, #tpu.memory_space<semaphore_mem>>)
    %dma_wait3A_193 = arith.constant 1 : i32
    %dma_wait3A_194 = arith.constant 1 : i32
    %dma_wait3A_195 = arith.constant 1 : i32
    %dma_wait3A_196 = arith.constant 20 : i32
    %dma_wait3A_197 = arith.constant 0 : i32
    %dma_wait3A_198 = tpu.memref_slice %arg7[%dma_wait3A_194, %dma_wait3A_196, %dma_wait3A_197] : memref<4x220x128xf32, #tpu.memory_space<vmem>> -> memref<1x128x128xf32, #tpu.memory_space<vmem>>
    %dma_wait3A_199 = tpu.memref_squeeze %dma_wait3A_198 : memref<1x128x128xf32, #tpu.memory_space<vmem>> -> memref<128x128xf32, #tpu.memory_space<vmem>>
    %dma_wait3A_200 = arith.constant 0 : i32
    %dma_wait3A_201 = tpu.memref_slice %arg6[%dma_wait3A_193, %dma_wait3A_200] : memref<4x200xi32, #tpu.memory_space<vmem>> -> memref<1x128xi32, #tpu.memory_space<vmem>>
    %dma_wait3A_202 = tpu.memref_squeeze %dma_wait3A_201 : memref<1x128xi32, #tpu.memory_space<vmem>> -> memref<128xi32, #tpu.memory_space<vmem>>
    %dma_wait3A_203 = arith.constant 0 : i32
    %dma_wait3A_204 = arith.constant 0 : i32
    %dma_wait3A_205 = tpu.memref_slice %arg3[%dma_wait3A_203, %dma_wait3A_204] : memref<1000000x128xf32, #tpu.memory_space<hbm>> -> memref<1000000x128xf32, #tpu.memory_space<hbm>>
    %dma_wait3A_206 = tpu.memref_slice %arg8[%dma_wait3A_195] : memref<4x!tpu.dma_semaphore, #tpu.memory_space<semaphore_mem>> -> memref<1x!tpu.dma_semaphore, #tpu.memory_space<semaphore_mem>>
    %dma_wait3A_207 = tpu.memref_squeeze %dma_wait3A_206 : memref<1x!tpu.dma_semaphore, #tpu.memory_space<semaphore_mem>> -> memref<!tpu.dma_semaphore, #tpu.memory_space<semaphore_mem>>
    tpu.wait_indirect_dma semaphore(%dma_wait3A_207 : memref<!tpu.dma_semaphore, #tpu.memory_space<semaphore_mem>>) src(%dma_wait3A_205 : memref<1000000x128xf32, #tpu.memory_space<hbm>>) dst(%dma_wait3A_199 : memref<128x128xf32, #tpu.memory_space<vmem>>)
    %dma_wait3A_208 = arith.constant 1 : i32
    %dma_wait3A_209 = arith.constant 1 : i32
    %dma_wait3A_210 = arith.constant 1 : i32
    %dma_wait3A_211 = arith.constant 148 : i32
    %dma_wait3A_212 = arith.constant 0 : i32
    %dma_wait3A_213 = tpu.memref_slice %arg7[%dma_wait3A_209, %dma_wait3A_211, %dma_wait3A_212] : memref<4x220x128xf32, #tpu.memory_space<vmem>> -> memref<1x72x128xf32, #tpu.memory_space<vmem>>
    %dma_wait3A_214 = tpu.memref_squeeze %dma_wait3A_213 : memref<1x72x128xf32, #tpu.memory_space<vmem>> -> memref<72x128xf32, #tpu.memory_space<vmem>>
    %dma_wait3A_215 = arith.constant 128 : i32
    %dma_wait3A_216 = tpu.memref_slice %arg6[%dma_wait3A_208, %dma_wait3A_215] : memref<4x200xi32, #tpu.memory_space<vmem>> -> memref<1x72xi32, #tpu.memory_space<vmem>>
    %dma_wait3A_217 = tpu.memref_squeeze %dma_wait3A_216 : memref<1x72xi32, #tpu.memory_space<vmem>> -> memref<72xi32, #tpu.memory_space<vmem>>
    %dma_wait3A_218 = arith.constant 0 : i32
    %dma_wait3A_219 = arith.constant 0 : i32
    %dma_wait3A_220 = tpu.memref_slice %arg3[%dma_wait3A_218, %dma_wait3A_219] : memref<1000000x128xf32, #tpu.memory_space<hbm>> -> memref<1000000x128xf32, #tpu.memory_space<hbm>>
    %dma_wait3A_221 = tpu.memref_slice %arg8[%dma_wait3A_210] : memref<4x!tpu.dma_semaphore, #tpu.memory_space<semaphore_mem>> -> memref<1x!tpu.dma_semaphore, #tpu.memory_space<semaphore_mem>>
    %dma_wait3A_222 = tpu.memref_squeeze %dma_wait3A_221 : memref<1x!tpu.dma_semaphore, #tpu.memory_space<semaphore_mem>> -> memref<!tpu.dma_semaphore, #tpu.memory_space<semaphore_mem>>
    tpu.wait_indirect_dma semaphore(%dma_wait3A_222 : memref<!tpu.dma_semaphore, #tpu.memory_space<semaphore_mem>>) src(%dma_wait3A_220 : memref<1000000x128xf32, #tpu.memory_space<hbm>>) dst(%dma_wait3A_214 : memref<72x128xf32, #tpu.memory_space<vmem>>)
    %add3A_223 = arith.constant 29 : i32
    %add3A_224 = arith.addi %mul3A_2, %add3A_223 : i32
    %dma_start3A_225 = arith.constant 1 : i32
    %dma_start3A_226 = arith.constant 1 : i32
    %dma_start3A_227 = arith.constant 0 : i32
    %dma_start3A_228 = arith.constant 0 : i32
    %dma_start3A_229 = tpu.memref_slice %arg7[%dma_start3A_225, %dma_start3A_227, %dma_start3A_228] : memref<4x220x128xf32, #tpu.memory_space<vmem>> -> memref<1x220x128xf32, #tpu.memory_space<vmem>>
    %dma_start3A_230 = tpu.memref_squeeze %dma_start3A_229 : memref<1x220x128xf32, #tpu.memory_space<vmem>> -> memref<220x128xf32, #tpu.memory_space<vmem>>
    %dma_start3A_231 = arith.constant 0 : i32
    %dma_start3A_232 = arith.constant 0 : i32
    %dma_start3A_233 = tpu.memref_slice %arg5[%add3A_224, %dma_start3A_231, %dma_start3A_232] : memref<1024x220x128xf32, #tpu.memory_space<hbm>> -> memref<1x220x128xf32, #tpu.memory_space<hbm>>
    %dma_start3A_234 = tpu.memref_squeeze %dma_start3A_233 : memref<1x220x128xf32, #tpu.memory_space<hbm>> -> memref<220x128xf32, #tpu.memory_space<hbm>>
    %dma_start3A_235 = tpu.memref_slice %arg9[%dma_start3A_226] : memref<4x!tpu.dma_semaphore, #tpu.memory_space<semaphore_mem>> -> memref<1x!tpu.dma_semaphore, #tpu.memory_space<semaphore_mem>>
    %dma_start3A_236 = tpu.memref_squeeze %dma_start3A_235 : memref<1x!tpu.dma_semaphore, #tpu.memory_space<semaphore_mem>> -> memref<!tpu.dma_semaphore, #tpu.memory_space<semaphore_mem>>
    %dma_start3A_237 = arith.constant 0 : i32
    %dma_start3A_238 = arith.constant 0 : i32
    %dma_start3A_239 = tpu.memref_slice %arg5[%add3A_224, %dma_start3A_237, %dma_start3A_238] : memref<1024x220x128xf32, #tpu.memory_space<hbm>> -> memref<1x220x128xf32, #tpu.memory_space<hbm>>
    %dma_start3A_240 = tpu.memref_squeeze %dma_start3A_239 : memref<1x220x128xf32, #tpu.memory_space<hbm>> -> memref<220x128xf32, #tpu.memory_space<hbm>>
    %dma_start3A_241 = arith.constant 0 : i32
    %dma_start3A_242 = arith.constant 0 : i32
    %dma_start3A_243 = tpu.memref_slice %arg7[%dma_start3A_225, %dma_start3A_241, %dma_start3A_242] : memref<4x220x128xf32, #tpu.memory_space<vmem>> -> memref<1x220x128xf32, #tpu.memory_space<vmem>>
    %dma_start3A_244 = tpu.memref_squeeze %dma_start3A_243 : memref<1x220x128xf32, #tpu.memory_space<vmem>> -> memref<220x128xf32, #tpu.memory_space<vmem>>
    tpu.enqueue_dma source(%dma_start3A_244 : memref<220x128xf32, #tpu.memory_space<vmem>>) target(%dma_start3A_240 : memref<220x128xf32, #tpu.memory_space<hbm>>) target_semaphore(%dma_start3A_236 : memref<!tpu.dma_semaphore, #tpu.memory_space<semaphore_mem>>)
    %dma_wait3A_245 = arith.constant 2 : i32
    %dma_wait3A_246 = arith.constant 2 : i32
    %dma_wait3A_247 = arith.constant 2 : i32
    %dma_wait3A_248 = arith.constant 20 : i32
    %dma_wait3A_249 = arith.constant 0 : i32
    %dma_wait3A_250 = tpu.memref_slice %arg7[%dma_wait3A_246, %dma_wait3A_248, %dma_wait3A_249] : memref<4x220x128xf32, #tpu.memory_space<vmem>> -> memref<1x128x128xf32, #tpu.memory_space<vmem>>
    %dma_wait3A_251 = tpu.memref_squeeze %dma_wait3A_250 : memref<1x128x128xf32, #tpu.memory_space<vmem>> -> memref<128x128xf32, #tpu.memory_space<vmem>>
    %dma_wait3A_252 = arith.constant 0 : i32
    %dma_wait3A_253 = tpu.memref_slice %arg6[%dma_wait3A_245, %dma_wait3A_252] : memref<4x200xi32, #tpu.memory_space<vmem>> -> memref<1x128xi32, #tpu.memory_space<vmem>>
    %dma_wait3A_254 = tpu.memref_squeeze %dma_wait3A_253 : memref<1x128xi32, #tpu.memory_space<vmem>> -> memref<128xi32, #tpu.memory_space<vmem>>
    %dma_wait3A_255 = arith.constant 0 : i32
    %dma_wait3A_256 = arith.constant 0 : i32
    %dma_wait3A_257 = tpu.memref_slice %arg3[%dma_wait3A_255, %dma_wait3A_256] : memref<1000000x128xf32, #tpu.memory_space<hbm>> -> memref<1000000x128xf32, #tpu.memory_space<hbm>>
    %dma_wait3A_258 = tpu.memref_slice %arg8[%dma_wait3A_247] : memref<4x!tpu.dma_semaphore, #tpu.memory_space<semaphore_mem>> -> memref<1x!tpu.dma_semaphore, #tpu.memory_space<semaphore_mem>>
    %dma_wait3A_259 = tpu.memref_squeeze %dma_wait3A_258 : memref<1x!tpu.dma_semaphore, #tpu.memory_space<semaphore_mem>> -> memref<!tpu.dma_semaphore, #tpu.memory_space<semaphore_mem>>
    tpu.wait_indirect_dma semaphore(%dma_wait3A_259 : memref<!tpu.dma_semaphore, #tpu.memory_space<semaphore_mem>>) src(%dma_wait3A_257 : memref<1000000x128xf32, #tpu.memory_space<hbm>>) dst(%dma_wait3A_251 : memref<128x128xf32, #tpu.memory_space<vmem>>)
    %dma_wait3A_260 = arith.constant 2 : i32
    %dma_wait3A_261 = arith.constant 2 : i32
    %dma_wait3A_262 = arith.constant 2 : i32
    %dma_wait3A_263 = arith.constant 148 : i32
    %dma_wait3A_264 = arith.constant 0 : i32
    %dma_wait3A_265 = tpu.memref_slice %arg7[%dma_wait3A_261, %dma_wait3A_263, %dma_wait3A_264] : memref<4x220x128xf32, #tpu.memory_space<vmem>> -> memref<1x72x128xf32, #tpu.memory_space<vmem>>
    %dma_wait3A_266 = tpu.memref_squeeze %dma_wait3A_265 : memref<1x72x128xf32, #tpu.memory_space<vmem>> -> memref<72x128xf32, #tpu.memory_space<vmem>>
    %dma_wait3A_267 = arith.constant 128 : i32
    %dma_wait3A_268 = tpu.memref_slice %arg6[%dma_wait3A_260, %dma_wait3A_267] : memref<4x200xi32, #tpu.memory_space<vmem>> -> memref<1x72xi32, #tpu.memory_space<vmem>>
    %dma_wait3A_269 = tpu.memref_squeeze %dma_wait3A_268 : memref<1x72xi32, #tpu.memory_space<vmem>> -> memref<72xi32, #tpu.memory_space<vmem>>
    %dma_wait3A_270 = arith.constant 0 : i32
    %dma_wait3A_271 = arith.constant 0 : i32
    %dma_wait3A_272 = tpu.memref_slice %arg3[%dma_wait3A_270, %dma_wait3A_271] : memref<1000000x128xf32, #tpu.memory_space<hbm>> -> memref<1000000x128xf32, #tpu.memory_space<hbm>>
    %dma_wait3A_273 = tpu.memref_slice %arg8[%dma_wait3A_262] : memref<4x!tpu.dma_semaphore, #tpu.memory_space<semaphore_mem>> -> memref<1x!tpu.dma_semaphore, #tpu.memory_space<semaphore_mem>>
    %dma_wait3A_274 = tpu.memref_squeeze %dma_wait3A_273 : memref<1x!tpu.dma_semaphore, #tpu.memory_space<semaphore_mem>> -> memref<!tpu.dma_semaphore, #tpu.memory_space<semaphore_mem>>
    tpu.wait_indirect_dma semaphore(%dma_wait3A_274 : memref<!tpu.dma_semaphore, #tpu.memory_space<semaphore_mem>>) src(%dma_wait3A_272 : memref<1000000x128xf32, #tpu.memory_space<hbm>>) dst(%dma_wait3A_266 : memref<72x128xf32, #tpu.memory_space<vmem>>)
    %add3A_275 = arith.constant 30 : i32
    %add3A_276 = arith.addi %mul3A_2, %add3A_275 : i32
    %dma_start3A_277 = arith.constant 2 : i32
    %dma_start3A_278 = arith.constant 2 : i32
    %dma_start3A_279 = arith.constant 0 : i32
    %dma_start3A_280 = arith.constant 0 : i32
    %dma_start3A_281 = tpu.memref_slice %arg7[%dma_start3A_277, %dma_start3A_279, %dma_start3A_280] : memref<4x220x128xf32, #tpu.memory_space<vmem>> -> memref<1x220x128xf32, #tpu.memory_space<vmem>>
    %dma_start3A_282 = tpu.memref_squeeze %dma_start3A_281 : memref<1x220x128xf32, #tpu.memory_space<vmem>> -> memref<220x128xf32, #tpu.memory_space<vmem>>
    %dma_start3A_283 = arith.constant 0 : i32
    %dma_start3A_284 = arith.constant 0 : i32
    %dma_start3A_285 = tpu.memref_slice %arg5[%add3A_276, %dma_start3A_283, %dma_start3A_284] : memref<1024x220x128xf32, #tpu.memory_space<hbm>> -> memref<1x220x128xf32, #tpu.memory_space<hbm>>
    %dma_start3A_286 = tpu.memref_squeeze %dma_start3A_285 : memref<1x220x128xf32, #tpu.memory_space<hbm>> -> memref<220x128xf32, #tpu.memory_space<hbm>>
    %dma_start3A_287 = tpu.memref_slice %arg9[%dma_start3A_278] : memref<4x!tpu.dma_semaphore, #tpu.memory_space<semaphore_mem>> -> memref<1x!tpu.dma_semaphore, #tpu.memory_space<semaphore_mem>>
    %dma_start3A_288 = tpu.memref_squeeze %dma_start3A_287 : memref<1x!tpu.dma_semaphore, #tpu.memory_space<semaphore_mem>> -> memref<!tpu.dma_semaphore, #tpu.memory_space<semaphore_mem>>
    %dma_start3A_289 = arith.constant 0 : i32
    %dma_start3A_290 = arith.constant 0 : i32
    %dma_start3A_291 = tpu.memref_slice %arg5[%add3A_276, %dma_start3A_289, %dma_start3A_290] : memref<1024x220x128xf32, #tpu.memory_space<hbm>> -> memref<1x220x128xf32, #tpu.memory_space<hbm>>
    %dma_start3A_292 = tpu.memref_squeeze %dma_start3A_291 : memref<1x220x128xf32, #tpu.memory_space<hbm>> -> memref<220x128xf32, #tpu.memory_space<hbm>>
    %dma_start3A_293 = arith.constant 0 : i32
    %dma_start3A_294 = arith.constant 0 : i32
    %dma_start3A_295 = tpu.memref_slice %arg7[%dma_start3A_277, %dma_start3A_293, %dma_start3A_294] : memref<4x220x128xf32, #tpu.memory_space<vmem>> -> memref<1x220x128xf32, #tpu.memory_space<vmem>>
    %dma_start3A_296 = tpu.memref_squeeze %dma_start3A_295 : memref<1x220x128xf32, #tpu.memory_space<vmem>> -> memref<220x128xf32, #tpu.memory_space<vmem>>
    tpu.enqueue_dma source(%dma_start3A_296 : memref<220x128xf32, #tpu.memory_space<vmem>>) target(%dma_start3A_292 : memref<220x128xf32, #tpu.memory_space<hbm>>) target_semaphore(%dma_start3A_288 : memref<!tpu.dma_semaphore, #tpu.memory_space<semaphore_mem>>)
    %dma_wait3A_297 = arith.constant 3 : i32
    %dma_wait3A_298 = arith.constant 3 : i32
    %dma_wait3A_299 = arith.constant 3 : i32
    %dma_wait3A_300 = arith.constant 20 : i32
    %dma_wait3A_301 = arith.constant 0 : i32
    %dma_wait3A_302 = tpu.memref_slice %arg7[%dma_wait3A_298, %dma_wait3A_300, %dma_wait3A_301] : memref<4x220x128xf32, #tpu.memory_space<vmem>> -> memref<1x128x128xf32, #tpu.memory_space<vmem>>
    %dma_wait3A_303 = tpu.memref_squeeze %dma_wait3A_302 : memref<1x128x128xf32, #tpu.memory_space<vmem>> -> memref<128x128xf32, #tpu.memory_space<vmem>>
    %dma_wait3A_304 = arith.constant 0 : i32
    %dma_wait3A_305 = tpu.memref_slice %arg6[%dma_wait3A_297, %dma_wait3A_304] : memref<4x200xi32, #tpu.memory_space<vmem>> -> memref<1x128xi32, #tpu.memory_space<vmem>>
    %dma_wait3A_306 = tpu.memref_squeeze %dma_wait3A_305 : memref<1x128xi32, #tpu.memory_space<vmem>> -> memref<128xi32, #tpu.memory_space<vmem>>
    %dma_wait3A_307 = arith.constant 0 : i32
    %dma_wait3A_308 = arith.constant 0 : i32
    %dma_wait3A_309 = tpu.memref_slice %arg3[%dma_wait3A_307, %dma_wait3A_308] : memref<1000000x128xf32, #tpu.memory_space<hbm>> -> memref<1000000x128xf32, #tpu.memory_space<hbm>>
    %dma_wait3A_310 = tpu.memref_slice %arg8[%dma_wait3A_299] : memref<4x!tpu.dma_semaphore, #tpu.memory_space<semaphore_mem>> -> memref<1x!tpu.dma_semaphore, #tpu.memory_space<semaphore_mem>>
    %dma_wait3A_311 = tpu.memref_squeeze %dma_wait3A_310 : memref<1x!tpu.dma_semaphore, #tpu.memory_space<semaphore_mem>> -> memref<!tpu.dma_semaphore, #tpu.memory_space<semaphore_mem>>
    tpu.wait_indirect_dma semaphore(%dma_wait3A_311 : memref<!tpu.dma_semaphore, #tpu.memory_space<semaphore_mem>>) src(%dma_wait3A_309 : memref<1000000x128xf32, #tpu.memory_space<hbm>>) dst(%dma_wait3A_303 : memref<128x128xf32, #tpu.memory_space<vmem>>)
    %dma_wait3A_312 = arith.constant 3 : i32
    %dma_wait3A_313 = arith.constant 3 : i32
    %dma_wait3A_314 = arith.constant 3 : i32
    %dma_wait3A_315 = arith.constant 148 : i32
    %dma_wait3A_316 = arith.constant 0 : i32
    %dma_wait3A_317 = tpu.memref_slice %arg7[%dma_wait3A_313, %dma_wait3A_315, %dma_wait3A_316] : memref<4x220x128xf32, #tpu.memory_space<vmem>> -> memref<1x72x128xf32, #tpu.memory_space<vmem>>
    %dma_wait3A_318 = tpu.memref_squeeze %dma_wait3A_317 : memref<1x72x128xf32, #tpu.memory_space<vmem>> -> memref<72x128xf32, #tpu.memory_space<vmem>>
    %dma_wait3A_319 = arith.constant 128 : i32
    %dma_wait3A_320 = tpu.memref_slice %arg6[%dma_wait3A_312, %dma_wait3A_319] : memref<4x200xi32, #tpu.memory_space<vmem>> -> memref<1x72xi32, #tpu.memory_space<vmem>>
    %dma_wait3A_321 = tpu.memref_squeeze %dma_wait3A_320 : memref<1x72xi32, #tpu.memory_space<vmem>> -> memref<72xi32, #tpu.memory_space<vmem>>
    %dma_wait3A_322 = arith.constant 0 : i32
    %dma_wait3A_323 = arith.constant 0 : i32
    %dma_wait3A_324 = tpu.memref_slice %arg3[%dma_wait3A_322, %dma_wait3A_323] : memref<1000000x128xf32, #tpu.memory_space<hbm>> -> memref<1000000x128xf32, #tpu.memory_space<hbm>>
    %dma_wait3A_325 = tpu.memref_slice %arg8[%dma_wait3A_314] : memref<4x!tpu.dma_semaphore, #tpu.memory_space<semaphore_mem>> -> memref<1x!tpu.dma_semaphore, #tpu.memory_space<semaphore_mem>>
    %dma_wait3A_326 = tpu.memref_squeeze %dma_wait3A_325 : memref<1x!tpu.dma_semaphore, #tpu.memory_space<semaphore_mem>> -> memref<!tpu.dma_semaphore, #tpu.memory_space<semaphore_mem>>
    tpu.wait_indirect_dma semaphore(%dma_wait3A_326 : memref<!tpu.dma_semaphore, #tpu.memory_space<semaphore_mem>>) src(%dma_wait3A_324 : memref<1000000x128xf32, #tpu.memory_space<hbm>>) dst(%dma_wait3A_318 : memref<72x128xf32, #tpu.memory_space<vmem>>)
    %add3A_327 = arith.constant 31 : i32
    %add3A_328 = arith.addi %mul3A_2, %add3A_327 : i32
    %dma_start3A_329 = arith.constant 3 : i32
    %dma_start3A_330 = arith.constant 3 : i32
    %dma_start3A_331 = arith.constant 0 : i32
    %dma_start3A_332 = arith.constant 0 : i32
    %dma_start3A_333 = tpu.memref_slice %arg7[%dma_start3A_329, %dma_start3A_331, %dma_start3A_332] : memref<4x220x128xf32, #tpu.memory_space<vmem>> -> memref<1x220x128xf32, #tpu.memory_space<vmem>>
    %dma_start3A_334 = tpu.memref_squeeze %dma_start3A_333 : memref<1x220x128xf32, #tpu.memory_space<vmem>> -> memref<220x128xf32, #tpu.memory_space<vmem>>
    %dma_start3A_335 = arith.constant 0 : i32
    %dma_start3A_336 = arith.constant 0 : i32
    %dma_start3A_337 = tpu.memref_slice %arg5[%add3A_328, %dma_start3A_335, %dma_start3A_336] : memref<1024x220x128xf32, #tpu.memory_space<hbm>> -> memref<1x220x128xf32, #tpu.memory_space<hbm>>
    %dma_start3A_338 = tpu.memref_squeeze %dma_start3A_337 : memref<1x220x128xf32, #tpu.memory_space<hbm>> -> memref<220x128xf32, #tpu.memory_space<hbm>>
    %dma_start3A_339 = tpu.memref_slice %arg9[%dma_start3A_330] : memref<4x!tpu.dma_semaphore, #tpu.memory_space<semaphore_mem>> -> memref<1x!tpu.dma_semaphore, #tpu.memory_space<semaphore_mem>>
    %dma_start3A_340 = tpu.memref_squeeze %dma_start3A_339 : memref<1x!tpu.dma_semaphore, #tpu.memory_space<semaphore_mem>> -> memref<!tpu.dma_semaphore, #tpu.memory_space<semaphore_mem>>
    %dma_start3A_341 = arith.constant 0 : i32
    %dma_start3A_342 = arith.constant 0 : i32
    %dma_start3A_343 = tpu.memref_slice %arg5[%add3A_328, %dma_start3A_341, %dma_start3A_342] : memref<1024x220x128xf32, #tpu.memory_space<hbm>> -> memref<1x220x128xf32, #tpu.memory_space<hbm>>
    %dma_start3A_344 = tpu.memref_squeeze %dma_start3A_343 : memref<1x220x128xf32, #tpu.memory_space<hbm>> -> memref<220x128xf32, #tpu.memory_space<hbm>>
    %dma_start3A_345 = arith.constant 0 : i32
    %dma_start3A_346 = arith.constant 0 : i32
    %dma_start3A_347 = tpu.memref_slice %arg7[%dma_start3A_329, %dma_start3A_345, %dma_start3A_346] : memref<4x220x128xf32, #tpu.memory_space<vmem>> -> memref<1x220x128xf32, #tpu.memory_space<vmem>>
    %dma_start3A_348 = tpu.memref_squeeze %dma_start3A_347 : memref<1x220x128xf32, #tpu.memory_space<vmem>> -> memref<220x128xf32, #tpu.memory_space<vmem>>
    tpu.enqueue_dma source(%dma_start3A_348 : memref<220x128xf32, #tpu.memory_space<vmem>>) target(%dma_start3A_344 : memref<220x128xf32, #tpu.memory_space<hbm>>) target_semaphore(%dma_start3A_340 : memref<!tpu.dma_semaphore, #tpu.memory_space<semaphore_mem>>)
    %add3A_349 = arith.constant 28 : i32
    %add3A_350 = arith.addi %mul3A_2, %add3A_349 : i32
    %dma_wait3A_351 = arith.constant 0 : i32
    %dma_wait3A_352 = arith.constant 0 : i32
    %dma_wait3A_353 = arith.constant 0 : i32
    %dma_wait3A_354 = arith.constant 0 : i32
    %dma_wait3A_355 = tpu.memref_slice %arg7[%dma_wait3A_351, %dma_wait3A_353, %dma_wait3A_354] : memref<4x220x128xf32, #tpu.memory_space<vmem>> -> memref<1x220x128xf32, #tpu.memory_space<vmem>>
    %dma_wait3A_356 = tpu.memref_squeeze %dma_wait3A_355 : memref<1x220x128xf32, #tpu.memory_space<vmem>> -> memref<220x128xf32, #tpu.memory_space<vmem>>
    %dma_wait3A_357 = arith.constant 0 : i32
    %dma_wait3A_358 = arith.constant 0 : i32
    %dma_wait3A_359 = tpu.memref_slice %arg5[%add3A_350, %dma_wait3A_357, %dma_wait3A_358] : memref<1024x220x128xf32, #tpu.memory_space<hbm>> -> memref<1x220x128xf32, #tpu.memory_space<hbm>>
    %dma_wait3A_360 = tpu.memref_squeeze %dma_wait3A_359 : memref<1x220x128xf32, #tpu.memory_space<hbm>> -> memref<220x128xf32, #tpu.memory_space<hbm>>
    %dma_wait3A_361 = tpu.memref_slice %arg9[%dma_wait3A_352] : memref<4x!tpu.dma_semaphore, #tpu.memory_space<semaphore_mem>> -> memref<1x!tpu.dma_semaphore, #tpu.memory_space<semaphore_mem>>
    %dma_wait3A_362 = tpu.memref_squeeze %dma_wait3A_361 : memref<1x!tpu.dma_semaphore, #tpu.memory_space<semaphore_mem>> -> memref<!tpu.dma_semaphore, #tpu.memory_space<semaphore_mem>>
    %dma_wait3A_363 = arith.constant 0 : i32
    %dma_wait3A_364 = arith.constant 0 : i32
    %dma_wait3A_365 = tpu.memref_slice %arg5[%add3A_350, %dma_wait3A_363, %dma_wait3A_364] : memref<1024x220x128xf32, #tpu.memory_space<hbm>> -> memref<1x220x128xf32, #tpu.memory_space<hbm>>
    %dma_wait3A_366 = tpu.memref_squeeze %dma_wait3A_365 : memref<1x220x128xf32, #tpu.memory_space<hbm>> -> memref<220x128xf32, #tpu.memory_space<hbm>>
    %dma_wait3A_367 = arith.constant 0 : i32
    %dma_wait3A_368 = arith.constant 0 : i32
    %dma_wait3A_369 = tpu.memref_slice %arg7[%dma_wait3A_351, %dma_wait3A_367, %dma_wait3A_368] : memref<4x220x128xf32, #tpu.memory_space<vmem>> -> memref<1x220x128xf32, #tpu.memory_space<vmem>>
    %dma_wait3A_370 = tpu.memref_squeeze %dma_wait3A_369 : memref<1x220x128xf32, #tpu.memory_space<vmem>> -> memref<220x128xf32, #tpu.memory_space<vmem>>
    tpu.wait_dma2 semaphore(%dma_wait3A_362 : memref<!tpu.dma_semaphore, #tpu.memory_space<semaphore_mem>>) src(%dma_wait3A_370 : memref<220x128xf32, #tpu.memory_space<vmem>>) dst(%dma_wait3A_366 : memref<220x128xf32, #tpu.memory_space<hbm>>)
    %add3A_371 = arith.constant 29 : i32
    %add3A_372 = arith.addi %mul3A_2, %add3A_371 : i32
    %dma_wait3A_373 = arith.constant 1 : i32
    %dma_wait3A_374 = arith.constant 1 : i32
    %dma_wait3A_375 = arith.constant 0 : i32
    %dma_wait3A_376 = arith.constant 0 : i32
    %dma_wait3A_377 = tpu.memref_slice %arg7[%dma_wait3A_373, %dma_wait3A_375, %dma_wait3A_376] : memref<4x220x128xf32, #tpu.memory_space<vmem>> -> memref<1x220x128xf32, #tpu.memory_space<vmem>>
    %dma_wait3A_378 = tpu.memref_squeeze %dma_wait3A_377 : memref<1x220x128xf32, #tpu.memory_space<vmem>> -> memref<220x128xf32, #tpu.memory_space<vmem>>
    %dma_wait3A_379 = arith.constant 0 : i32
    %dma_wait3A_380 = arith.constant 0 : i32
    %dma_wait3A_381 = tpu.memref_slice %arg5[%add3A_372, %dma_wait3A_379, %dma_wait3A_380] : memref<1024x220x128xf32, #tpu.memory_space<hbm>> -> memref<1x220x128xf32, #tpu.memory_space<hbm>>
    %dma_wait3A_382 = tpu.memref_squeeze %dma_wait3A_381 : memref<1x220x128xf32, #tpu.memory_space<hbm>> -> memref<220x128xf32, #tpu.memory_space<hbm>>
    %dma_wait3A_383 = tpu.memref_slice %arg9[%dma_wait3A_374] : memref<4x!tpu.dma_semaphore, #tpu.memory_space<semaphore_mem>> -> memref<1x!tpu.dma_semaphore, #tpu.memory_space<semaphore_mem>>
    %dma_wait3A_384 = tpu.memref_squeeze %dma_wait3A_383 : memref<1x!tpu.dma_semaphore, #tpu.memory_space<semaphore_mem>> -> memref<!tpu.dma_semaphore, #tpu.memory_space<semaphore_mem>>
    %dma_wait3A_385 = arith.constant 0 : i32
    %dma_wait3A_386 = arith.constant 0 : i32
    %dma_wait3A_387 = tpu.memref_slice %arg5[%add3A_372, %dma_wait3A_385, %dma_wait3A_386] : memref<1024x220x128xf32, #tpu.memory_space<hbm>> -> memref<1x220x128xf32, #tpu.memory_space<hbm>>
    %dma_wait3A_388 = tpu.memref_squeeze %dma_wait3A_387 : memref<1x220x128xf32, #tpu.memory_space<hbm>> -> memref<220x128xf32, #tpu.memory_space<hbm>>
    %dma_wait3A_389 = arith.constant 0 : i32
    %dma_wait3A_390 = arith.constant 0 : i32
    %dma_wait3A_391 = tpu.memref_slice %arg7[%dma_wait3A_373, %dma_wait3A_389, %dma_wait3A_390] : memref<4x220x128xf32, #tpu.memory_space<vmem>> -> memref<1x220x128xf32, #tpu.memory_space<vmem>>
    %dma_wait3A_392 = tpu.memref_squeeze %dma_wait3A_391 : memref<1x220x128xf32, #tpu.memory_space<vmem>> -> memref<220x128xf32, #tpu.memory_space<vmem>>
    tpu.wait_dma2 semaphore(%dma_wait3A_384 : memref<!tpu.dma_semaphore, #tpu.memory_space<semaphore_mem>>) src(%dma_wait3A_392 : memref<220x128xf32, #tpu.memory_space<vmem>>) dst(%dma_wait3A_388 : memref<220x128xf32, #tpu.memory_space<hbm>>)
    %add3A_393 = arith.constant 30 : i32
    %add3A_394 = arith.addi %mul3A_2, %add3A_393 : i32
    %dma_wait3A_395 = arith.constant 2 : i32
    %dma_wait3A_396 = arith.constant 2 : i32
    %dma_wait3A_397 = arith.constant 0 : i32
    %dma_wait3A_398 = arith.constant 0 : i32
    %dma_wait3A_399 = tpu.memref_slice %arg7[%dma_wait3A_395, %dma_wait3A_397, %dma_wait3A_398] : memref<4x220x128xf32, #tpu.memory_space<vmem>> -> memref<1x220x128xf32, #tpu.memory_space<vmem>>
    %dma_wait3A_400 = tpu.memref_squeeze %dma_wait3A_399 : memref<1x220x128xf32, #tpu.memory_space<vmem>> -> memref<220x128xf32, #tpu.memory_space<vmem>>
    %dma_wait3A_401 = arith.constant 0 : i32
    %dma_wait3A_402 = arith.constant 0 : i32
    %dma_wait3A_403 = tpu.memref_slice %arg5[%add3A_394, %dma_wait3A_401, %dma_wait3A_402] : memref<1024x220x128xf32, #tpu.memory_space<hbm>> -> memref<1x220x128xf32, #tpu.memory_space<hbm>>
    %dma_wait3A_404 = tpu.memref_squeeze %dma_wait3A_403 : memref<1x220x128xf32, #tpu.memory_space<hbm>> -> memref<220x128xf32, #tpu.memory_space<hbm>>
    %dma_wait3A_405 = tpu.memref_slice %arg9[%dma_wait3A_396] : memref<4x!tpu.dma_semaphore, #tpu.memory_space<semaphore_mem>> -> memref<1x!tpu.dma_semaphore, #tpu.memory_space<semaphore_mem>>
    %dma_wait3A_406 = tpu.memref_squeeze %dma_wait3A_405 : memref<1x!tpu.dma_semaphore, #tpu.memory_space<semaphore_mem>> -> memref<!tpu.dma_semaphore, #tpu.memory_space<semaphore_mem>>
    %dma_wait3A_407 = arith.constant 0 : i32
    %dma_wait3A_408 = arith.constant 0 : i32
    %dma_wait3A_409 = tpu.memref_slice %arg5[%add3A_394, %dma_wait3A_407, %dma_wait3A_408] : memref<1024x220x128xf32, #tpu.memory_space<hbm>> -> memref<1x220x128xf32, #tpu.memory_space<hbm>>
    %dma_wait3A_410 = tpu.memref_squeeze %dma_wait3A_409 : memref<1x220x128xf32, #tpu.memory_space<hbm>> -> memref<220x128xf32, #tpu.memory_space<hbm>>
    %dma_wait3A_411 = arith.constant 0 : i32
    %dma_wait3A_412 = arith.constant 0 : i32
    %dma_wait3A_413 = tpu.memref_slice %arg7[%dma_wait3A_395, %dma_wait3A_411, %dma_wait3A_412] : memref<4x220x128xf32, #tpu.memory_space<vmem>> -> memref<1x220x128xf32, #tpu.memory_space<vmem>>
    %dma_wait3A_414 = tpu.memref_squeeze %dma_wait3A_413 : memref<1x220x128xf32, #tpu.memory_space<vmem>> -> memref<220x128xf32, #tpu.memory_space<vmem>>
    tpu.wait_dma2 semaphore(%dma_wait3A_406 : memref<!tpu.dma_semaphore, #tpu.memory_space<semaphore_mem>>) src(%dma_wait3A_414 : memref<220x128xf32, #tpu.memory_space<vmem>>) dst(%dma_wait3A_410 : memref<220x128xf32, #tpu.memory_space<hbm>>)
    %add3A_415 = arith.constant 31 : i32
    %add3A_416 = arith.addi %mul3A_2, %add3A_415 : i32
    %dma_wait3A_417 = arith.constant 3 : i32
    %dma_wait3A_418 = arith.constant 3 : i32
    %dma_wait3A_419 = arith.constant 0 : i32
    %dma_wait3A_420 = arith.constant 0 : i32
    %dma_wait3A_421 = tpu.memref_slice %arg7[%dma_wait3A_417, %dma_wait3A_419, %dma_wait3A_420] : memref<4x220x128xf32, #tpu.memory_space<vmem>> -> memref<1x220x128xf32, #tpu.memory_space<vmem>>
    %dma_wait3A_422 = tpu.memref_squeeze %dma_wait3A_421 : memref<1x220x128xf32, #tpu.memory_space<vmem>> -> memref<220x128xf32, #tpu.memory_space<vmem>>
    %dma_wait3A_423 = arith.constant 0 : i32
    %dma_wait3A_424 = arith.constant 0 : i32
    %dma_wait3A_425 = tpu.memref_slice %arg5[%add3A_416, %dma_wait3A_423, %dma_wait3A_424] : memref<1024x220x128xf32, #tpu.memory_space<hbm>> -> memref<1x220x128xf32, #tpu.memory_space<hbm>>
    %dma_wait3A_426 = tpu.memref_squeeze %dma_wait3A_425 : memref<1x220x128xf32, #tpu.memory_space<hbm>> -> memref<220x128xf32, #tpu.memory_space<hbm>>
    %dma_wait3A_427 = tpu.memref_slice %arg9[%dma_wait3A_418] : memref<4x!tpu.dma_semaphore, #tpu.memory_space<semaphore_mem>> -> memref<1x!tpu.dma_semaphore, #tpu.memory_space<semaphore_mem>>
    %dma_wait3A_428 = tpu.memref_squeeze %dma_wait3A_427 : memref<1x!tpu.dma_semaphore, #tpu.memory_space<semaphore_mem>> -> memref<!tpu.dma_semaphore, #tpu.memory_space<semaphore_mem>>
    %dma_wait3A_429 = arith.constant 0 : i32
    %dma_wait3A_430 = arith.constant 0 : i32
    %dma_wait3A_431 = tpu.memref_slice %arg5[%add3A_416, %dma_wait3A_429, %dma_wait3A_430] : memref<1024x220x128xf32, #tpu.memory_space<hbm>> -> memref<1x220x128xf32, #tpu.memory_space<hbm>>
    %dma_wait3A_432 = tpu.memref_squeeze %dma_wait3A_431 : memref<1x220x128xf32, #tpu.memory_space<hbm>> -> memref<220x128xf32, #tpu.memory_space<hbm>>
    %dma_wait3A_433 = arith.constant 0 : i32
    %dma_wait3A_434 = arith.constant 0 : i32
    %dma_wait3A_435 = tpu.memref_slice %arg7[%dma_wait3A_417, %dma_wait3A_433, %dma_wait3A_434] : memref<4x220x128xf32, #tpu.memory_space<vmem>> -> memref<1x220x128xf32, #tpu.memory_space<vmem>>
    %dma_wait3A_436 = tpu.memref_squeeze %dma_wait3A_435 : memref<1x220x128xf32, #tpu.memory_space<vmem>> -> memref<220x128xf32, #tpu.memory_space<vmem>>
    tpu.wait_dma2 semaphore(%dma_wait3A_428 : memref<!tpu.dma_semaphore, #tpu.memory_space<semaphore_mem>>) src(%dma_wait3A_436 : memref<220x128xf32, #tpu.memory_space<vmem>>) dst(%dma_wait3A_432 : memref<220x128xf32, #tpu.memory_space<hbm>>)
    return
  }
}

</mosaic_0001>

<sc_bundles>
// kernel: kernel.3.cloned.1.call-start
scs
__scs_entry_jumppad:
0x0: {  	(pc) =	sbr.rel $0x88, $3  }
0x1: {  	(tag) =	ssettag $0x0;
	lr =	simm.s32 $0x1  }
0x2: {  	[smem:$0x3F9E] =	sst lr;
	_ =	strace $0xD0000000  }
0x3: {  	_ = 	snop  }
0x4: {  	_ = 	snop  }
0x5: {  	_ = 	snop  }
0x6: {  	_ = 	snop  }
0x7: {  	_ = 	snop  }
__scs_overlays_trampoline_lowered:
0x8: {  	[smem:$0x3FAD] =	sst s0  }
0x9: {  	[smem:$0x3FAE] =	sst s1  }
0xa: {  	[smem:$0x3FAF] =	sst s2  }
0xb: {  	[smem:$0x3FB0] =	sst s3  }
0xc: {  	[smem:$0x3FB1] =	sst s4  }
0xd: {  	[smem:$0x3FB2] =	sst s5  }
0xe: {  	[smem:$0x3FB3] =	sst s6  }
0xf: {  	[smem:$0x3FB4] =	sst s7  }
0x10: {  	[smem:$0x3FB5] =	sst s8  }
0x11: {  	[smem:$0x3FB6] =	sst s9;
	s0 =	simm.s32 @!p0 $0x0  }
0x12: {  	s1 =	sld [smem:$0x3F9C];
	s0 =	simm.s32 @p0 $0x1  }
0x13: {  	[smem:$0x3FB7] =	sst s0;
	s0 =	simm.s32 @!p1 $0x0  }
0x14: {  	s2 =	sld [smem:$0x3F9B];
	s0 =	simm.s32 @p1 $0x1  }
0x15: {  	[smem:$0x3FB8] =	sst s0;
	s0 =	simm.s32 @!p2 $0x0  }
0x16: {  	s3 =	sld [smem:$0x3FDB];
	s0 =	simm.s32 @p2 $0x1  }
0x17: {  	s4 =	simm.s32 $0x1BF5;
	[smem:$0x3FBA] =	sst s0  }
0x18: {  	s0 =	sld [smem:$0x3F9D];
	_ =	swait.ge [sflag:s4], $0x0  }
0x19: {  	s7 =	sld [smem:$0x3F9E]  }
0x1a: {  	s8 =	sadd.s32 $0xFFFFE003, lr  }
0x1b: {  	s9 =	sadd.s32 $0xFFFFFEF7, lr;
	s5 =	simm.s32 $0xFFFFFFFF;
	p2 =	slt.u32 s8, $0xFFFFF086  }
0x1c: {  	p1 =	slt.u32 s9, $0xF7A;
	s5 =	simm.s32 @!p2 $0x0  }
0x1d: {  	s5 =	simm.s32 @p1 $0x1;
	p0 =	seq.s32 s7, s2  }
0x1e: {  	s7 =	smul.u32 @!p0 $0xF7A, s2;
	p2 =	seq.s32 @!p0 s5, $0x0  }
0x1f: {  	s9 =	smul.u32 $0xF7A, s1;
	s8 =	simm.s32 @!p0 $0x1BF5;
	p2 =	por !p2, p0  }
0x20: {  	[sflag:s8] =	ssyncset.s32 @!p0 $0xFFFFF086;
	s6 =	sadd.s32 @!p0 s3, s7;
	s7 =	simm.s32 @!p0 $0x108  }
0x21: {  	s3 =	sadd.s32 s3, s9;
	s6 =	sadd.s32 @!p0 $0x88, s6;
	s7 =	simm.s32 @p2 $0x1082  }
0x22: {  	[simem:s7], [sflag:s8] =	dma.local @!p0 [hbm:s6], $0xF7A  }
0x23: {  	s9 =	sor.u32 $0xD0000000, s2;
	s6 =	simm.s32 $0x108;
	_ =	swait.ge @!p0 [sflag:s8], $0x0  }
0x24: {  	s3 =	sadd.s32 $0x88, s3;
	s6 =	simm.s32 @!p1 $0x1082;
	[sflag:s4] =	ssyncset.s32 $0xFFFFF086  }
0x25: {  	[simem:s6], [sflag:s4] =	dma.local [hbm:s3], $0xF7A  }
0x26: {  	[smem:$0x3F9E] =	sst s1;
	(tag) =	ssettag s2;
	_ =	strace s9  }
0x27: {  	s1 =	sld [smem:$0x3FAE]  }
0x28: {  	s2 =	sld [smem:$0x3FAF]  }
0x29: {  	s4 =	sld [smem:$0x3FB1]  }
0x2a: {  	p0 =	seq.s32 s5, $0x0;
	s5 =	sld [smem:$0x3FB2]  }
0x2b: {  	s6 =	sld [smem:$0x3FB3]  }
0x2c: {  	s7 =	sld [smem:$0x3FB4]  }
0x2d: {  	s3 =	simm.s32 $0x108;
	s8 =	sld [smem:$0x3FB5]  }
0x2e: {  	s3 =	simm.s32 @!p0 $0x1082;
	s9 =	sld [smem:$0x3FB6]  }
0x2f: {  	lr =	sadd.s32 s0, s3;
	s0 =	sld [smem:$0x3FAD]  }
0x30: {  	s3 =	sld [smem:$0x3FB0]  }
0x31: {  	[smem:$0x3FB9] =	sst s10  }
0x32: {  	s10 =	sld [smem:$0x3FB7];
	_ =	sdelay $0x3  }
0x33: {  	p0 =	seq.s32 s10, $0x1;
	s10 =	sld [smem:$0x3FB9];
	_ =	sdelay $0x3  }
0x34: {  	[smem:$0x3FB9] =	sst s10  }
0x35: {  	s10 =	sld [smem:$0x3FB8];
	_ =	sdelay $0x3  }
0x36: {  	p1 =	seq.s32 s10, $0x1;
	s10 =	sld [smem:$0x3FB9];
	_ =	sdelay $0x3  }
0x37: {  	[smem:$0x3FB9] =	sst s10  }
0x38: {  	s10 =	sld [smem:$0x3FBA]  }
0x39: {  	_ = 	snop;
	(pc) =	sbr.ind lr, $3  }
0x3a: {  	_ = 	snop  }
0x3b: {  	_ = 	snop  }
0x3c: {  	p2 =	seq.s32 s10, $0x1;
	s10 =	sld [smem:$0x3FB9]  }
0x3d: {  	_ =	shalt  }
0x3e: {  	_ =	shalt  }
0x3f: {  	_ =	shalt  }
0x40: {  	_ =	shalt  }
0x41: {  	_ =	shalt  }
0x42: {  	_ =	shalt  }
0x43: {  	_ =	shalt  }
0x44: {  	_ =	shalt  }
0x45: {  	_ =	shalt  }
0x46: {  	_ =	shalt  }
0x47: {  	_ =	shalt  }
0x48: {  	_ =	shalt  }
0x49: {  	_ =	shalt  }
0x4a: {  	_ =	shalt  }
0x4b: {  	_ =	shalt  }
0x4c: {  	_ =	shalt  }
0x4d: {  	_ =	shalt  }
0x4e: {  	_ =	shalt  }
0x4f: {  	_ =	shalt  }
0x50: {  	_ =	shalt  }
0x51: {  	_ =	shalt  }
0x52: {  	_ =	shalt  }
0x53: {  	_ =	shalt  }
0x54: {  	_ =	shalt  }
0x55: {  	_ =	shalt  }
0x56: {  	_ =	shalt  }
0x57: {  	_ =	shalt  }
0x58: {  	_ =	shalt  }
0x59: {  	_ =	shalt  }
0x5a: {  	_ =	shalt  }
0x5b: {  	_ =	shalt  }
0x5c: {  	_ =	shalt  }
0x5d: {  	_ =	shalt  }
0x5e: {  	_ =	shalt  }
0x5f: {  	_ =	shalt  }
0x60: {  	_ =	shalt  }
0x61: {  	_ =	shalt  }
0x62: {  	_ =	shalt  }
0x63: {  	_ =	shalt  }
0x64: {  	_ =	shalt  }
0x65: {  	_ =	shalt  }
0x66: {  	_ =	shalt  }
0x67: {  	_ =	shalt  }
0x68: {  	_ =	shalt  }
0x69: {  	_ =	shalt  }
0x6a: {  	_ =	shalt  }
0x6b: {  	_ =	shalt  }
0x6c: {  	_ =	shalt  }
0x6d: {  	_ =	shalt  }
0x6e: {  	_ =	shalt  }
0x6f: {  	_ =	shalt  }
0x70: {  	_ =	shalt  }
0x71: {  	_ =	shalt  }
0x72: {  	_ =	shalt  }
0x73: {  	_ =	shalt  }
0x74: {  	_ =	shalt  }
0x75: {  	_ =	shalt  }
0x76: {  	_ =	shalt  }
0x77: {  	_ =	shalt  }
0x78: {  	_ =	shalt  }
0x79: {  	_ =	shalt  }
0x7a: {  	_ =	shalt  }
0x7b: {  	_ =	shalt  }
0x7c: {  	_ =	shalt  }
0x7d: {  	_ =	shalt  }
0x7e: {  	_ =	shalt  }
0x7f: {  	_ =	shalt  }
0x80: {  	_ =	shalt  }
0x81: {  	_ =	shalt  }
0x82: {  	_ =	shalt  }
0x83: {  	_ =	shalt  }
0x84: {  	_ =	shalt  }
0x85: {  	_ =	shalt  }
0x86: {  	_ =	shalt  }
0x87: {  	_ =	shalt  }
.Lfunc_end0:
.L_simem_size_0:
called_computation.1_lowered:
.L_overlay_start_0:
0x88: {  	s2 =	sld [smem:$0x3FD9]  }
0x89: {  	s3 =	sld [smem:$0x3FFE];
	_ =	sdelay $0x1  }
0x8a: {  	s1 =	srdreg.scid  }
0x8b: {  	s0 =	sand.u32 $0x1, s1  }
0x8c: {  	s17 =	sshll.u32 s0, $0xA;
	s2 =	sadd.s32 s3, s2  }
0x8d: {  	s2 =	sadd.s32 s2, s17  }
0x8e: {  	[smem:$0x3FC5] =	sst s2  }
0x8f: {  	_ = 	snop  }
0x90: {  	s2 =	sld [smem:$0x3FD0];
	(tm) =	ssettm $0x1  }
0x91: {  	s18 =	sld [smem:$0x3FFB];
	_ =	sdelay $0x3  }
0x92: {  	_ =	strace s18  }
0x93: {  	s3 =	sld [smem:$0x3FFC];
	_ =	sdelay $0x3  }
0x94: {  	_ =	strace s3  }
0x95: {  	s3 =	sld [smem:$0x3FFD];
	_ =	sdelay $0x3  }
0x96: {  	_ =	strace s3  }
0x97: {  	_ =	strace $0x8FFFFFFF  }
0x98: {  	s19 =	sld [smem:$0x3FDB];
	_ =	sdelay $0x1  }
0x99: {  	s4 =	simm.s32 $_scs_section_size  }
0x9a: {  	s5 =	simm.s32 $_size__tile_overlayer_lowered;
	s6 =	simm.s32 $_tile_overlayer_lowered  }
0x9b: {  	s22 =	simm.s32 $0x1BFF;
	s21 =	sshll.u32 s6, $0x1;
	s3 =	sadd.s32 s4, s19  }
0x9c: {  	s7 =	simm.s32 $0x0;
	s20 =	sshll.u32 s5, $0x1;
	s5 =	sadd.s32 s21, s3  }
0x9d: {  	[timem:s7], [sflag:s22] =	dma.local [hbm:s5], s20  }
0x9e: {  	_ =	swait.ge [sflag:s22], s20  }
0x9f: {  	s4 =	ssub.s32 $0x0, s20;
	[sflag:s22] =	ssyncset.done $0x0  }
0xa0: {  	[sflag:s22] =	ssyncadd.s32 s4;
	_ =	sdelay $0x1  }
0xa1: {  	s23 =	simm.s32 $0x1B8B  }
0xa2: {  	_ =	swait.ge [sflag:s23], $0x1  }
0xa3: {  	[sflag:s23] =	ssyncset.done $0x0  }
0xa4: {  	s25 =	simm.s32 $0x1B8E;
	s24 =	sld [smem:$0x3FFE];
	[sflag:s23] =	ssyncadd.s32 $0xFFFFFFFF  }
0xa5: {  	s26 =	simm.s32 $execute0_lowered;
	[smem:$0x3FD2] =	sst s25  }
0xa6: {  	s5 =	sshll.u32 s26, $0x1;
	_ =	strace $0x80000046;
	[dreg:$0x1] =	wrdreg $0xFFFFFFFF  }
0xa7: {  	s28 =	simm.s32 $_size_execute0_lowered;
	s3 =	sadd.s32 s3, s5;
	[dreg:$0x0] =	wrdreg $0x0  }
0xa8: {  	s5 =	sshll.u32 s28, $0x1;
	[dreg:$0x2] =	wrdreg s3  }
0xa9: {  	[dreg:$0x3] =	wrdreg s5  }
0xaa: {  	[dreg:$0x4] =	wrdreg $0xC0  }
0xab: {  	_ =	task [dreg:s7], $0x5FFFF  }
0xac: {  	[dreg:$0x1] =	wrdreg $0xFFFFFFFF  }
0xad: {  	[dreg:$0x0] =	wrdreg $0x60  }
0xae: {  	[dreg:$0x2] =	wrdreg s2  }
0xaf: {  	[dreg:$0x3] =	wrdreg s24  }
0xb0: {  	[dreg:$0x4] =	wrdreg $0x9  }
0xb1: {  	_ =	task.clear_ibuf [dreg:s7], $0x5FFFF;
	_ =	strace $0x90000046  }
0xb2: {  	s29 =	simm.s32 $0x9;
	_ =	strace $0x80000048  }
0xb3: {  	_ =	swait.ge [sflag:s29], $0x1  }
0xb4: {  	[sflag:s29] =	ssyncadd.s32 $0xFFFFFFFF  }
0xb5: {  	_ =	strace $0x90000048  }
0xb6: {  	_ =	sfence  }
0xb7: {  	s30 =	sld [smem:$0x0];
	_ =	sdelay $0x2  }
0xb8: {  	s31 =	sshll.u32 s1, $0xD;
	s1 =	sshrl.u32 s1, $0x2  }
0xb9: {  	s3 =	sand.u32 $0x4000, s31;
	s1 =	sadd.s32 s1, s30  }
0xba: {  	s0 =	sor.u32 s3, s0;
	s1 =	sshll.u32 s1, $0x11  }
0xbb: {  	s0 =	sor.u32 s1, s0  }
0xbc: {  	s0 =	sadd.s32 $0x8F2B, s0  }
0xbd: {  	[sflag:s0] =	ssyncadd.remote.s32 $0x1  }
0xbe: {  	_ =	sfence.sel $0xFFFF  }
0xbf: {  	[dreg:$0x0] =	wrdreg $0xFFFFFFFF;
	(pc) =	sbr.abs _section_cstart, $3  }
0xc0: {  	[dreg:$0x1] =	wrdreg $0xFFFFFFFF  }
0xc1: {  	_ =	task.clear_ibuf [dreg:s7], $0x2FFFF;
	_ =	strace $0x9FFFFFFF  }
0xc2: {  	(tm) =	ssettm $0x7FFFFFFF  }
0xc3: {  	_ =	shalt  }
tec
execute0_lowered:
.L_overlay_start_1:
0x0: {  	(tag) =	ssettag $0x1  }
0x1: {  	s1 =	rddreg [dreg:$0x0]  }
0x2: {  	s0 =	rddreg [dreg:$0x1];
	s2 =	srdreg.scid  }
0x3: {  	s3 =	simm.s32 $0x0;
	s9 =	stileid.u32;
	s11 =	simm.s32 $0xE00  }
0x4: {  	s30 =	simm.s32 $0x7E00;
	s31 =	simm.s32 $0x100;
	s28 =	simm.s32 $0x12E00  }
0x5: {  	s12 =	simm.s32 $0x180;
	s2 =	sand.u32 $0x1, s2;
	[smem:$0x7FF] =	sst s3  }
0x6: {  	s4 =	sshll.u32 s9, $0x6;
	s6 =	sadd.s32 $0xC00, s0;
	s22 =	smul.u32 $0x38000, s9  }
0x7: {  	s25 =	sshll.u32 s9, $0xB;
	s9 =	simm.s32 $0x6;
	s5 =	sshll.u32 s2, $0x5  }
0x8: {  	_ =	strace $0x80000047;
	[dreg:$0x3] =	wrdreg s6;
	s7 =	ssub.s32 $0x2, s2  }
0x9: {  	s24 =	smul.u32 $0x1C000, s2;
	s2 =	sshll.u32 s2, $0xA;
	s6 =	simm.s32 $0x1  }
0xa: {  	s5 =	sor.u32 s5, s4;
	s4 =	sadd.s32 $0xF43000, s0;
	s0 =	sadd.s32 $0xE00, s0  }
0xb: {  	s8 =	sshrl.u32 s7, $0x1;
	s26 =	sor.u32 s2, s25;
	s13 =	smul.u32 $0x7000, s5  }
0xc: {  	s5 =	sshll.u32 s5, $0x5;
	s15 =	ssub.s32 s7, s8;
	[dreg:$0xe] =	wrdreg s26  }
0xd: {  	s26 =	simm.s32 $0x280;
	s7 =	simm.s32 $0x5;
	s8 =	simm.s32 $0x2  }
0xe: {  	s10 =	sadd.s32 s1, s5;
	s23 =	smax.u32 s15, $0x1;
	s15 =	simm.s32 $0x4  }
0xf: {  	s14 =	sshrl.u32 s13, $0x3;
	s16 =	sadd.s32 $0x10, s10;
	[dreg:$0xc] =	wrdreg s23  }
0x10: {  	s17 =	sadd.s32 $0x20, s10;
	s18 =	sadd.s32 $0x30, s10;
	[dreg:$0x4] =	wrdreg s10  }
0x11: {  	s29 =	sadd.s32 $0x80, s10;
	s23 =	simm.s32 $0x48;
	[dreg:$0x5] =	wrdreg s16  }
0x12: {  	s13 =	simm.s32 $0x380;
	s10 =	simm.s32 $0x0;
	[dreg:$0x6] =	wrdreg s17  }
0x13: {  	s5 =	sadd.s32 s0, s14;
	[dreg:$0x7] =	wrdreg s18;
	s0 =	sadd.s32 s22, s0  }
0x14: {  	s18 =	simm.s32 $0x9;
	[dreg:$0xf] =	wrdreg s29;
	s19 =	sadd.s32 $0x18800, s5  }
0x15: {  	s14 =	simm.s32 $0x4E00;
	s20 =	sadd.s32 $0x19600, s5;
	[dreg:$0x8] =	wrdreg s19  }
0x16: {  	s16 =	simm.s32 $0x7;
	s21 =	sadd.s32 $0x1A400, s5;
	[dreg:$0x9] =	wrdreg s20  }
0x17: {  	s17 =	simm.s32 $0x8;
	s5 =	sadd.s32 $0x1B200, s5;
	[dreg:$0xa] =	wrdreg s21  }
0x18: {  	s0 =	sadd.s32 s24, s0;
	s24 =	simm.s32 $0xEE00;
	[dreg:$0xb] =	wrdreg s5  }
0x19: {  	[dreg:$0xd] =	wrdreg s0;
	s20 =	simm.s32 $0x200;
	s21 =	simm.s32 $0x80  }
0x1a: {  	s19 =	simm.s32 $0xBE00;
	s0 =	simm.s32 $0x300;
	s5 =	simm.s32 $0x3  }
.LBB2_1:
0x1b: {  	[dreg:$0x10] =	wrdreg s10  }
0x1c: {  	s2 =	rddreg [dreg:$0x3];
	s25 =	simm.s32 $0x400  }
0x1d: {  	[tilespmem:s25], [sflag:$0x9] =	stream.linear.gather [hbm4b:s2+s3], $0xA00, $0x38;
	[tilespmem:$0x1C400] =	vst v63  }
0x1e: {  	_ =	swait.ge [sflag:s18], $0xA00  }
0x1f: {  	[sflag:s18] =	ssyncset.done $0x0  }
0x20: {  	s22 =	rddreg [dreg:$0x4];
	[sflag:s18] =	ssyncadd.s32 $0xFFFFF600  }
0x21: {  	[tilespmem:s3], [sflag:$0x9] =	stream.linear.gather [hbm4b:s22+s3], $0x80, $0x38;
	[tilespmem:$0x1C400] =	vst v63  }
0x22: {  	s29 =	rddreg [dreg:$0xf]  }
0x23: {  	[tilespmem:s20], [sflag:$0x9] =	stream.linear.gather [hbm4b:s29+s3], $0x80, $0x38;
	[tilespmem:$0x1C400] =	vst v63  }
0x24: {  	_ =	swait.ge [sflag:s18], $0x100  }
0x25: {  	[sflag:s18] =	ssyncset.done $0x0  }
0x26: {  	[sflag:s18] =	ssyncadd.s32 $0xFFFFFF00  }
0x27: {  	[tilespmem:s11], [sflag:$0x1] =	stream.indirect.gather [hbm4b:s4+s21], $0x80, s3, s21, $0xb8;
	[tilespmem:$0x1C400] =	vst v63  }
0x28: {  	_ = 	snop  }
0x29: {  	[tilespmem:s14], [sflag:$0x1] =	stream.indirect.gather [hbm4b:s4+s23], $0x80, s20, s23, $0xb8;
	[tilespmem:$0x1C400] =	vst v63  }
0x2a: {  	s29 =	simm.s32 $0x7400  }
0x2b: {  	[tilespmem:s29], [sflag:$0x9] =	stream.linear.gather [hbm4b:s2+s3], $0xA00, $0x38;
	[tilespmem:$0x1C400] =	vst v63  }
0x2c: {  	_ =	swait.ge [sflag:s18], $0xA00  }
0x2d: {  	[sflag:s18] =	ssyncset.done $0x0  }
0x2e: {  	s10 =	rddreg [dreg:$0x5];
	[sflag:s18] =	ssyncadd.s32 $0xFFFFF600  }
0x2f: {  	[tilespmem:s21], [sflag:$0x9] =	stream.linear.gather [hbm4b:s10+s3], $0x80, $0x38;
	[tilespmem:$0x1C400] =	vst v63  }
0x30: {  	s22 =	sadd.s32 $0x80, s10  }
0x31: {  	[tilespmem:s26], [sflag:$0x9] =	stream.linear.gather [hbm4b:s22+s3], $0x80, $0x38;
	[tilespmem:$0x1C400] =	vst v63  }
0x32: {  	_ =	swait.ge [sflag:s18], $0x100  }
0x33: {  	[sflag:s18] =	ssyncset.done $0x0  }
0x34: {  	[sflag:s18] =	ssyncadd.s32 $0xFFFFFF00  }
0x35: {  	[tilespmem:s30], [sflag:$0x2] =	stream.indirect.gather [hbm4b:s4+s21], $0x80, s21, s21, $0xb8;
	[tilespmem:$0x1C400] =	vst v63  }
0x36: {  	_ = 	snop  }
0x37: {  	[tilespmem:s19], [sflag:$0x2] =	stream.indirect.gather [hbm4b:s4+s23], $0x80, s26, s23, $0xb8;
	[tilespmem:$0x1C400] =	vst v63  }
0x38: {  	s10 =	simm.s32 $0xE400  }
0x39: {  	[tilespmem:s10], [sflag:$0x9] =	stream.linear.gather [hbm4b:s2+s3], $0xA00, $0x38;
	[tilespmem:$0x1C400] =	vst v63  }
0x3a: {  	_ =	swait.ge [sflag:s18], $0xA00  }
0x3b: {  	[sflag:s18] =	ssyncset.done $0x0  }
0x3c: {  	s19 =	rddreg [dreg:$0x6];
	[sflag:s18] =	ssyncadd.s32 $0xFFFFF600  }
0x3d: {  	[tilespmem:s31], [sflag:$0x9] =	stream.linear.gather [hbm4b:s19+s3], $0x80, $0x38;
	[tilespmem:$0x1C400] =	vst v63  }
0x3e: {  	s22 =	sadd.s32 $0x80, s19  }
0x3f: {  	[tilespmem:s0], [sflag:$0x9] =	stream.linear.gather [hbm4b:s22+s3], $0x80, $0x38;
	[tilespmem:$0x1C400] =	vst v63  }
0x40: {  	_ =	swait.ge [sflag:s18], $0x100  }
0x41: {  	[sflag:s18] =	ssyncset.done $0x0  }
0x42: {  	[sflag:s18] =	ssyncadd.s32 $0xFFFFFF00  }
0x43: {  	[tilespmem:s24], [sflag:$0x3] =	stream.indirect.gather [hbm4b:s4+s21], $0x80, s31, s21, $0xb8;
	[tilespmem:$0x1C400] =	vst v63  }
0x44: {  	_ = 	snop  }
0x45: {  	[tilespmem:s28], [sflag:$0x3] =	stream.indirect.gather [hbm4b:s4+s23], $0x80, s0, s23, $0xb8;
	[tilespmem:$0x1C400] =	vst v63  }
0x46: {  	s19 =	simm.s32 $0x15400  }
0x47: {  	[tilespmem:s19], [sflag:$0x9] =	stream.linear.gather [hbm4b:s2+s3], $0xA00, $0x38;
	[tilespmem:$0x1C400] =	vst v63  }
0x48: {  	_ =	swait.ge [sflag:s18], $0xA00  }
0x49: {  	[sflag:s18] =	ssyncset.done $0x0  }
0x4a: {  	s28 =	rddreg [dreg:$0x7];
	[sflag:s18] =	ssyncadd.s32 $0xFFFFF600  }
0x4b: {  	[tilespmem:s12], [sflag:$0x9] =	stream.linear.gather [hbm4b:s28+s3], $0x80, $0x38;
	[tilespmem:$0x1C400] =	vst v63  }
0x4c: {  	s2 =	sadd.s32 $0x80, s28  }
0x4d: {  	[tilespmem:s13], [sflag:$0x9] =	stream.linear.gather [hbm4b:s2+s3], $0x80, $0x38;
	[tilespmem:$0x1C400] =	vst v63  }
0x4e: {  	_ =	swait.ge [sflag:s18], $0x100  }
0x4f: {  	[sflag:s18] =	ssyncset.done $0x0  }
0x50: {  	s22 =	simm.s32 $0x15E00;
	[sflag:s18] =	ssyncadd.s32 $0xFFFFFF00  }
0x51: {  	[tilespmem:s22], [sflag:$0x4] =	stream.indirect.gather [hbm4b:s4+s21], $0x80, s12, s21, $0xb8;
	[tilespmem:$0x1C400] =	vst v63  }
0x52: {  	s24 =	simm.s32 $0x19E00  }
0x53: {  	[tilespmem:s24], [sflag:$0x4] =	stream.indirect.gather [hbm4b:s4+s23], $0x80, s13, s23, $0xb8;
	[tilespmem:$0x1C400] =	vst v63  }
0x54: {  	_ =	swait.ge [sflag:s6], $0x4000  }
0x55: {  	[sflag:s6] =	ssyncset.done $0x0  }
0x56: {  	[sflag:s6] =	ssyncadd.s32 $0xFFFFC000  }
0x57: {  	_ =	swait.ge [sflag:s6], $0x2400  }
0x58: {  	[sflag:s6] =	ssyncset.done $0x0  }
0x59: {  	s2 =	rddreg [dreg:$0xd];
	[sflag:s6] =	ssyncadd.s32 $0xFFFFDC00  }
0x5a: {  	[hbm4b:s2+s3] =	stream.linear.scatter [tilespmem:s25], [sflag:$0x5], $0x6E00, $0x38;
	[tilespmem:$0x1C400] =	vst v63  }
0x5b: {  	_ =	swait.ge [sflag:s7], $0x6E00  }
0x5c: {  	s24 =	simm.s32 $0x40;
	s28 =	rddreg [dreg:$0xe]  }
0x5d: {  	s24 =	sand.u32 $0x40, s24;
	s22 =	sadd.s32 $0x80, s28  }
0x5e: {  	s24 =	sadd.s32 s1, s24;
	[sflag:s7] =	ssyncset.done $0x0;
	s25 =	sand.u32 $0xFF00, s22  }
0x5f: {  	[sflag:s7] =	ssyncadd.s32 $0xFFFF9200;
	s24 =	sadd.s32 s25, s24  }
0x60: {  	[tilespmem:s3], [sflag:$0x9] =	stream.linear.gather [hbm4b:s24+s3], $0x80, $0x38;
	[tilespmem:$0x1C400] =	vst v63  }
0x61: {  	s24 =	sadd.s32 $0x80, s24  }
0x62: {  	[tilespmem:s20], [sflag:$0x9] =	stream.linear.gather [hbm4b:s24+s3], $0x80, $0x38;
	[tilespmem:$0x1C400] =	vst v63  }
0x63: {  	_ =	swait.ge [sflag:s18], $0x100  }
0x64: {  	[sflag:s18] =	ssyncset.done $0x0  }
0x65: {  	[sflag:s18] =	ssyncadd.s32 $0xFFFFFF00  }
0x66: {  	[tilespmem:s11], [sflag:$0x1] =	stream.indirect.gather [hbm4b:s4+s21], $0x80, s3, s21, $0xb8;
	[tilespmem:$0x1C400] =	vst v63  }
0x67: {  	_ = 	snop  }
0x68: {  	[tilespmem:s14], [sflag:$0x1] =	stream.indirect.gather [hbm4b:s4+s23], $0x80, s20, s23, $0xb8;
	[tilespmem:$0x1C400] =	vst v63  }
0x69: {  	_ =	swait.ge [sflag:s8], $0x4000  }
0x6a: {  	[sflag:s8] =	ssyncset.done $0x0  }
0x6b: {  	[sflag:s8] =	ssyncadd.s32 $0xFFFFC000  }
0x6c: {  	_ =	swait.ge [sflag:s8], $0x2400  }
0x6d: {  	[sflag:s8] =	ssyncset.done $0x0  }
0x6e: {  	s25 =	sadd.s32 $0xE00, s2;
	s11 =	simm.s32 $0x50;
	[sflag:s8] =	ssyncadd.s32 $0xFFFFDC00  }
0x6f: {  	[hbm4b:s25+s3] =	stream.linear.scatter [tilespmem:s29], [sflag:$0x6], $0x6E00, $0x38;
	[tilespmem:$0x1C400] =	vst v63  }
0x70: {  	s20 =	sadd.s32 $0xA0, s28;
	s25 =	sand.u32 $0x50, s11;
	_ =	swait.ge [sflag:s9], $0x6E00  }
0x71: {  	s24 =	sand.u32 $0xFF00, s20;
	s25 =	sadd.s32 s1, s25;
	[sflag:s9] =	ssyncset.done $0x0  }
0x72: {  	s24 =	sadd.s32 s24, s25;
	[sflag:s9] =	ssyncadd.s32 $0xFFFF9200  }
0x73: {  	[tilespmem:s21], [sflag:$0x9] =	stream.linear.gather [hbm4b:s24+s3], $0x80, $0x38;
	[tilespmem:$0x1C400] =	vst v63  }
0x74: {  	s24 =	sadd.s32 $0x80, s24  }
0x75: {  	[tilespmem:s26], [sflag:$0x9] =	stream.linear.gather [hbm4b:s24+s3], $0x80, $0x38;
	[tilespmem:$0x1C400] =	vst v63  }
0x76: {  	_ =	swait.ge [sflag:s18], $0x100  }
0x77: {  	[sflag:s18] =	ssyncset.done $0x0  }
0x78: {  	[sflag:s18] =	ssyncadd.s32 $0xFFFFFF00  }
0x79: {  	[tilespmem:s30], [sflag:$0x2] =	stream.indirect.gather [hbm4b:s4+s21], $0x80, s21, s21, $0xb8;
	[tilespmem:$0x1C400] =	vst v63  }
0x7a: {  	s14 =	simm.s32 $0xBE00  }
0x7b: {  	[tilespmem:s14], [sflag:$0x2] =	stream.indirect.gather [hbm4b:s4+s23], $0x80, s26, s23, $0xb8;
	[tilespmem:$0x1C400] =	vst v63  }
0x7c: {  	_ =	swait.ge [sflag:s5], $0x4000  }
0x7d: {  	[sflag:s5] =	ssyncset.done $0x0  }
0x7e: {  	[sflag:s5] =	ssyncadd.s32 $0xFFFFC000  }
0x7f: {  	_ =	swait.ge [sflag:s5], $0x2400  }
0x80: {  	[sflag:s5] =	ssyncset.done $0x0  }
0x81: {  	s29 =	sadd.s32 $0x1C00, s2;
	s30 =	simm.s32 $0x60;
	[sflag:s5] =	ssyncadd.s32 $0xFFFFDC00  }
0x82: {  	[hbm4b:s29+s3] =	stream.linear.scatter [tilespmem:s10], [sflag:$0x7], $0x6E00, $0x38;
	[tilespmem:$0x1C400] =	vst v63  }
0x83: {  	s25 =	sand.u32 $0x60, s30;
	s10 =	sadd.s32 $0xC0, s28;
	_ =	swait.ge [sflag:s16], $0x6E00  }
0x84: {  	s25 =	sadd.s32 s1, s25;
	s24 =	sand.u32 $0xFF00, s10;
	[sflag:s16] =	ssyncset.done $0x0  }
0x85: {  	s24 =	sadd.s32 s24, s25;
	[sflag:s16] =	ssyncadd.s32 $0xFFFF9200  }
0x86: {  	[tilespmem:s31], [sflag:$0x9] =	stream.linear.gather [hbm4b:s24+s3], $0x80, $0x38;
	[tilespmem:$0x1C400] =	vst v63  }
0x87: {  	s24 =	sadd.s32 $0x80, s24  }
0x88: {  	[tilespmem:s0], [sflag:$0x9] =	stream.linear.gather [hbm4b:s24+s3], $0x80, $0x38;
	[tilespmem:$0x1C400] =	vst v63  }
0x89: {  	_ =	swait.ge [sflag:s18], $0x100  }
0x8a: {  	[sflag:s18] =	ssyncset.done $0x0  }
0x8b: {  	s11 =	simm.s32 $0xEE00;
	[sflag:s18] =	ssyncadd.s32 $0xFFFFFF00  }
0x8c: {  	[tilespmem:s11], [sflag:$0x3] =	stream.indirect.gather [hbm4b:s4+s21], $0x80, s31, s21, $0xb8;
	[tilespmem:$0x1C400] =	vst v63  }
0x8d: {  	s14 =	simm.s32 $0x12E00  }
0x8e: {  	[tilespmem:s14], [sflag:$0x3] =	stream.indirect.gather [hbm4b:s4+s23], $0x80, s0, s23, $0xb8;
	[tilespmem:$0x1C400] =	vst v63  }
0x8f: {  	_ =	swait.ge [sflag:s15], $0x4000  }
0x90: {  	[sflag:s15] =	ssyncset.done $0x0  }
0x91: {  	[sflag:s15] =	ssyncadd.s32 $0xFFFFC000  }
0x92: {  	_ =	swait.ge [sflag:s15], $0x2400  }
0x93: {  	[sflag:s15] =	ssyncset.done $0x0  }
0x94: {  	s20 =	simm.s32 $0x70;
	s26 =	sadd.s32 $0x2A00, s2;
	[sflag:s15] =	ssyncadd.s32 $0xFFFFDC00  }
0x95: {  	[hbm4b:s26+s3] =	stream.linear.scatter [tilespmem:s19], [sflag:$0x8], $0x6E00, $0x38;
	[tilespmem:$0x1C400] =	vst v63  }
0x96: {  	s29 =	sadd.s32 $0xE0, s28;
	s24 =	sand.u32 $0x70, s20;
	_ =	swait.ge [sflag:s17], $0x6E00  }
0x97: {  	s25 =	sand.u32 $0xFF00, s29;
	s24 =	sadd.s32 s1, s24;
	[sflag:s17] =	ssyncset.done $0x0  }
0x98: {  	s24 =	sadd.s32 s25, s24;
	[sflag:s17] =	ssyncadd.s32 $0xFFFF9200  }
0x99: {  	[tilespmem:s12], [sflag:$0x9] =	stream.linear.gather [hbm4b:s24+s3], $0x80, $0x38;
	[tilespmem:$0x1C400] =	vst v63  }
0x9a: {  	s30 =	simm.s32 $0x15E00;
	s10 =	simm.s32 $0x7E00;
	s24 =	sadd.s32 $0x80, s24  }
0x9b: {  	[tilespmem:s13], [sflag:$0x9] =	stream.linear.gather [hbm4b:s24+s3], $0x80, $0x38;
	[tilespmem:$0x1C400] =	vst v63  }
0x9c: {  	s20 =	simm.s32 $0x280;
	s25 =	sadd.s32 $0x3800, s2;
	_ =	swait.ge [sflag:s18], $0x100  }
0x9d: {  	s11 =	simm.s32 $0xE00;
	s14 =	simm.s32 $0x4E00;
	[sflag:s18] =	ssyncset.done $0x0  }
0x9e: {  	s26 =	simm.s32 $0x200;
	s24 =	simm.s32 $0xB0;
	[sflag:s18] =	ssyncadd.s32 $0xFFFFFF00  }
0x9f: {  	[tilespmem:s30], [sflag:$0x4] =	stream.indirect.gather [hbm4b:s4+s21], $0x80, s12, s21, $0xb8;
	[tilespmem:$0x1C400] =	vst v63  }
.LBB2_2:
0xa0: {  	s2 =	simm.s32 $0x19E00;
	s28 =	smov.u32 s24;
	s29 =	smov.u32 s22  }
0xa1: {  	[tilespmem:s2], [sflag:$0x4] =	stream.indirect.gather [hbm4b:s4+s23], $0x80, s13, s23, $0xb8;
	[tilespmem:$0x1C400] =	vst v63  }
0xa2: {  	p0 =	sne.s32 s24, $0x1F0;
	s24 =	sadd.s32 $0x40, s24;
	_ =	swait.ge [sflag:s6], $0x4000  }
0xa3: {  	[sflag:s6] =	ssyncset.done $0x0  }
0xa4: {  	[sflag:s6] =	ssyncadd.s32 $0xFFFFC000  }
0xa5: {  	_ =	swait.ge [sflag:s6], $0x2400  }
0xa6: {  	[sflag:s6] =	ssyncset.done $0x0  }
0xa7: {  	s30 =	sadd.s32 $0xFFFFFFD0, s28;
	s2 =	simm.s32 $0x400;
	[sflag:s6] =	ssyncadd.s32 $0xFFFFDC00  }
0xa8: {  	[hbm4b:s25+s3] =	stream.linear.scatter [tilespmem:s2], [sflag:$0x5], $0x6E00, $0x38;
	[tilespmem:$0x1C400] =	vst v63  }
0xa9: {  	s22 =	sadd.s32 $0x80, s22;
	s30 =	sand.u32 $0x40, s30;
	_ =	swait.ge [sflag:s7], $0x6E00  }
0xaa: {  	s30 =	sadd.s32 s1, s30;
	s2 =	sand.u32 $0xFF00, s22;
	[sflag:s7] =	ssyncset.done $0x0  }
0xab: {  	s2 =	sadd.s32 s2, s30;
	[sflag:s7] =	ssyncadd.s32 $0xFFFF9200  }
0xac: {  	[tilespmem:s3], [sflag:$0x9] =	stream.linear.gather [hbm4b:s2+s3], $0x80, $0x38;
	[tilespmem:$0x1C400] =	vst v63  }
0xad: {  	s2 =	sadd.s32 $0x80, s2  }
0xae: {  	[tilespmem:s26], [sflag:$0x9] =	stream.linear.gather [hbm4b:s2+s3], $0x80, $0x38;
	[tilespmem:$0x1C400] =	vst v63  }
0xaf: {  	_ =	swait.ge [sflag:s18], $0x100  }
0xb0: {  	[sflag:s18] =	ssyncset.done $0x0  }
0xb1: {  	[sflag:s18] =	ssyncadd.s32 $0xFFFFFF00  }
0xb2: {  	[tilespmem:s11], [sflag:$0x1] =	stream.indirect.gather [hbm4b:s4+s21], $0x80, s3, s21, $0xb8;
	[tilespmem:$0x1C400] =	vst v63  }
0xb3: {  	_ = 	snop  }
0xb4: {  	[tilespmem:s14], [sflag:$0x1] =	stream.indirect.gather [hbm4b:s4+s23], $0x80, s26, s23, $0xb8;
	[tilespmem:$0x1C400] =	vst v63  }
0xb5: {  	_ =	swait.ge [sflag:s8], $0x4000  }
0xb6: {  	[sflag:s8] =	ssyncset.done $0x0  }
0xb7: {  	[sflag:s8] =	ssyncadd.s32 $0xFFFFC000  }
0xb8: {  	_ =	swait.ge [sflag:s8], $0x2400  }
0xb9: {  	s19 =	simm.s32 $0x7400;
	[sflag:s8] =	ssyncset.done $0x0  }
0xba: {  	s30 =	sadd.s32 $0xFFFFFFE0, s28;
	s2 =	sadd.s32 $0xE00, s25;
	[sflag:s8] =	ssyncadd.s32 $0xFFFFDC00  }
0xbb: {  	[hbm4b:s2+s3] =	stream.linear.scatter [tilespmem:s19], [sflag:$0x6], $0x6E00, $0x38;
	[tilespmem:$0x1C400] =	vst v63  }
0xbc: {  	s30 =	sand.u32 $0x50, s30;
	s2 =	sadd.s32 $0xA0, s29;
	_ =	swait.ge [sflag:s9], $0x6E00  }
0xbd: {  	s30 =	sadd.s32 s1, s30;
	s2 =	sand.u32 $0xFF00, s2;
	[sflag:s9] =	ssyncset.done $0x0  }
0xbe: {  	s2 =	sadd.s32 s2, s30;
	[sflag:s9] =	ssyncadd.s32 $0xFFFF9200  }
0xbf: {  	[tilespmem:s21], [sflag:$0x9] =	stream.linear.gather [hbm4b:s2+s3], $0x80, $0x38;
	[tilespmem:$0x1C400] =	vst v63  }
0xc0: {  	s2 =	sadd.s32 $0x80, s2  }
0xc1: {  	[tilespmem:s20], [sflag:$0x9] =	stream.linear.gather [hbm4b:s2+s3], $0x80, $0x38;
	[tilespmem:$0x1C400] =	vst v63  }
0xc2: {  	_ =	swait.ge [sflag:s18], $0x100  }
0xc3: {  	[sflag:s18] =	ssyncset.done $0x0  }
0xc4: {  	[sflag:s18] =	ssyncadd.s32 $0xFFFFFF00  }
0xc5: {  	[tilespmem:s10], [sflag:$0x2] =	stream.indirect.gather [hbm4b:s4+s21], $0x80, s21, s21, $0xb8;
	[tilespmem:$0x1C400] =	vst v63  }
0xc6: {  	s2 =	simm.s32 $0xBE00  }
0xc7: {  	[tilespmem:s2], [sflag:$0x2] =	stream.indirect.gather [hbm4b:s4+s23], $0x80, s20, s23, $0xb8;
	[tilespmem:$0x1C400] =	vst v63  }
0xc8: {  	_ =	swait.ge [sflag:s5], $0x4000  }
0xc9: {  	[sflag:s5] =	ssyncset.done $0x0  }
0xca: {  	[sflag:s5] =	ssyncadd.s32 $0xFFFFC000  }
0xcb: {  	_ =	swait.ge [sflag:s5], $0x2400  }
0xcc: {  	s19 =	simm.s32 $0xE400;
	[sflag:s5] =	ssyncset.done $0x0  }
0xcd: {  	s30 =	sadd.s32 $0xFFFFFFF0, s28;
	s2 =	sadd.s32 $0x1C00, s25;
	[sflag:s5] =	ssyncadd.s32 $0xFFFFDC00  }
0xce: {  	[hbm4b:s2+s3] =	stream.linear.scatter [tilespmem:s19], [sflag:$0x7], $0x6E00, $0x38;
	[tilespmem:$0x1C400] =	vst v63  }
0xcf: {  	s30 =	sand.u32 $0x60, s30;
	s2 =	sadd.s32 $0xC0, s29;
	_ =	swait.ge [sflag:s16], $0x6E00  }
0xd0: {  	s30 =	sadd.s32 s1, s30;
	s2 =	sand.u32 $0xFF00, s2;
	[sflag:s16] =	ssyncset.done $0x0  }
0xd1: {  	s2 =	sadd.s32 s2, s30;
	[sflag:s16] =	ssyncadd.s32 $0xFFFF9200  }
0xd2: {  	[tilespmem:s31], [sflag:$0x9] =	stream.linear.gather [hbm4b:s2+s3], $0x80, $0x38;
	[tilespmem:$0x1C400] =	vst v63  }
0xd3: {  	s2 =	sadd.s32 $0x80, s2  }
0xd4: {  	[tilespmem:s0], [sflag:$0x9] =	stream.linear.gather [hbm4b:s2+s3], $0x80, $0x38;
	[tilespmem:$0x1C400] =	vst v63  }
0xd5: {  	_ =	swait.ge [sflag:s18], $0x100  }
0xd6: {  	[sflag:s18] =	ssyncset.done $0x0  }
0xd7: {  	s2 =	simm.s32 $0xEE00;
	[sflag:s18] =	ssyncadd.s32 $0xFFFFFF00  }
0xd8: {  	[tilespmem:s2], [sflag:$0x3] =	stream.indirect.gather [hbm4b:s4+s21], $0x80, s31, s21, $0xb8;
	[tilespmem:$0x1C400] =	vst v63  }
0xd9: {  	s2 =	simm.s32 $0x12E00  }
0xda: {  	[tilespmem:s2], [sflag:$0x3] =	stream.indirect.gather [hbm4b:s4+s23], $0x80, s0, s23, $0xb8;
	[tilespmem:$0x1C400] =	vst v63  }
0xdb: {  	_ =	swait.ge [sflag:s15], $0x4000  }
0xdc: {  	[sflag:s15] =	ssyncset.done $0x0  }
0xdd: {  	[sflag:s15] =	ssyncadd.s32 $0xFFFFC000  }
0xde: {  	_ =	swait.ge [sflag:s15], $0x2400  }
0xdf: {  	[sflag:s15] =	ssyncset.done $0x0  }
0xe0: {  	s19 =	simm.s32 $0x15400;
	s2 =	sadd.s32 $0x2A00, s25;
	[sflag:s15] =	ssyncadd.s32 $0xFFFFDC00  }
0xe1: {  	[hbm4b:s2+s3] =	stream.linear.scatter [tilespmem:s19], [sflag:$0x8], $0x6E00, $0x38;
	[tilespmem:$0x1C400] =	vst v63  }
0xe2: {  	s28 =	sand.u32 $0x70, s28;
	s2 =	sadd.s32 $0xE0, s29;
	_ =	swait.ge [sflag:s17], $0x6E00  }
0xe3: {  	s28 =	sadd.s32 s1, s28;
	s2 =	sand.u32 $0xFF00, s2;
	[sflag:s17] =	ssyncset.done $0x0  }
0xe4: {  	s2 =	sadd.s32 s2, s28;
	[sflag:s17] =	ssyncadd.s32 $0xFFFF9200  }
0xe5: {  	[tilespmem:s12], [sflag:$0x9] =	stream.linear.gather [hbm4b:s2+s3], $0x80, $0x38;
	[tilespmem:$0x1C400] =	vst v63  }
0xe6: {  	s2 =	sadd.s32 $0x80, s2  }
0xe7: {  	[tilespmem:s13], [sflag:$0x9] =	stream.linear.gather [hbm4b:s2+s3], $0x80, $0x38;
	[tilespmem:$0x1C400] =	vst v63  }
.Ltmp0:
0xe8: {  	_ =	swait.ge [sflag:s18], $0x100;
	(pc) =	sbr.rel @p0 .LBB2_2-.Ltmp0, $4  }
0xe9: {  	[sflag:s18] =	ssyncset.done $0x0  }
0xea: {  	s2 =	simm.s32 $0x15E00;
	[sflag:s18] =	ssyncadd.s32 $0xFFFFFF00  }
0xeb: {  	[tilespmem:s2], [sflag:$0x4] =	stream.indirect.gather [hbm4b:s4+s21], $0x80, s12, s21, $0xb8;
	[tilespmem:$0x1C400] =	vst v63  }
0xec: {  	s25 =	sadd.s32 $0x3800, s25  }
0xed: {  	s2 =	simm.s32 $0x19E00  }
0xee: {  	[tilespmem:s2], [sflag:$0x4] =	stream.indirect.gather [hbm4b:s4+s23], $0x80, s13, s23, $0xb8;
	[tilespmem:$0x1C400] =	vst v63  }
0xef: {  	_ =	swait.ge [sflag:s6], $0x4000  }
0xf0: {  	[sflag:s6] =	ssyncset.done $0x0  }
0xf1: {  	[sflag:s6] =	ssyncadd.s32 $0xFFFFC000  }
0xf2: {  	_ =	swait.ge [sflag:s6], $0x2400  }
0xf3: {  	[sflag:s6] =	ssyncset.done $0x0  }
0xf4: {  	s10 =	simm.s32 $0x400;
	s11 =	rddreg [dreg:$0x8];
	[sflag:s6] =	ssyncadd.s32 $0xFFFFDC00  }
0xf5: {  	[hbm4b:s11+s3] =	stream.linear.scatter [tilespmem:s10], [sflag:$0x5], $0x6E00, $0x38;
	[tilespmem:$0x1C400] =	vst v63  }
0xf6: {  	_ =	swait.ge [sflag:s8], $0x4000  }
0xf7: {  	[sflag:s8] =	ssyncset.done $0x0  }
0xf8: {  	[sflag:s8] =	ssyncadd.s32 $0xFFFFC000  }
0xf9: {  	_ =	swait.ge [sflag:s8], $0x2400  }
0xfa: {  	[sflag:s8] =	ssyncset.done $0x0  }
0xfb: {  	s19 =	simm.s32 $0x7400;
	s14 =	rddreg [dreg:$0x9];
	[sflag:s8] =	ssyncadd.s32 $0xFFFFDC00  }
0xfc: {  	[hbm4b:s14+s3] =	stream.linear.scatter [tilespmem:s19], [sflag:$0x6], $0x6E00, $0x38;
	[tilespmem:$0x1C400] =	vst v63  }
0xfd: {  	_ =	swait.ge [sflag:s5], $0x4000  }
0xfe: {  	[sflag:s5] =	ssyncset.done $0x0  }
0xff: {  	[sflag:s5] =	ssyncadd.s32 $0xFFFFC000  }
0x100: {  	_ =	swait.ge [sflag:s5], $0x2400  }
0x101: {  	[sflag:s5] =	ssyncset.done $0x0  }
0x102: {  	s22 =	simm.s32 $0xE400;
	s20 =	rddreg [dreg:$0xa];
	[sflag:s5] =	ssyncadd.s32 $0xFFFFDC00  }
0x103: {  	[hbm4b:s20+s3] =	stream.linear.scatter [tilespmem:s22], [sflag:$0x7], $0x6E00, $0x38;
	[tilespmem:$0x1C400] =	vst v63  }
0x104: {  	_ =	swait.ge [sflag:s15], $0x4000  }
0x105: {  	[sflag:s15] =	ssyncset.done $0x0  }
0x106: {  	[sflag:s15] =	ssyncadd.s32 $0xFFFFC000  }
0x107: {  	_ =	swait.ge [sflag:s15], $0x2400  }
0x108: {  	[sflag:s15] =	ssyncset.done $0x0  }
0x109: {  	s25 =	simm.s32 $0x15400;
	s24 =	rddreg [dreg:$0xb];
	[sflag:s15] =	ssyncadd.s32 $0xFFFFDC00  }
0x10a: {  	[hbm4b:s24+s3] =	stream.linear.scatter [tilespmem:s25], [sflag:$0x8], $0x6E00, $0x38;
	[tilespmem:$0x1C400] =	vst v63  }
0x10b: {  	_ =	swait.ge [sflag:s7], $0x6E00  }
0x10c: {  	[sflag:s7] =	ssyncset.done $0x0  }
0x10d: {  	[sflag:s7] =	ssyncadd.s32 $0xFFFF9200  }
0x10e: {  	_ =	swait.ge [sflag:s9], $0x6E00  }
0x10f: {  	[sflag:s9] =	ssyncset.done $0x0  }
0x110: {  	[sflag:s9] =	ssyncadd.s32 $0xFFFF9200  }
0x111: {  	_ =	swait.ge [sflag:s16], $0x6E00  }
0x112: {  	[sflag:s16] =	ssyncset.done $0x0  }
0x113: {  	[sflag:s16] =	ssyncadd.s32 $0xFFFF9200  }
0x114: {  	_ =	swait.ge [sflag:s17], $0x6E00  }
0x115: {  	s26 =	rddreg [dreg:$0x10]  }
0x116: {  	s29 =	rddreg [dreg:$0xc];
	s10 =	sadd.s32 $0x1, s26  }
0x117: {  	p0 =	sne.s32 s10, s29  }
.Ltmp1:
0x118: {  	_ = 	snop;
	(pc) =	sbr.rel @p0 .LBB2_1-.Ltmp1, $4  }
0x119: {  	s30 =	simm.s32 $0x7E00  }
0x11a: {  	s28 =	simm.s32 $0x12E00;
	s11 =	simm.s32 $0xE00;
	s14 =	simm.s32 $0x4E00  }
0x11b: {  	s19 =	simm.s32 $0xBE00;
	s20 =	simm.s32 $0x200;
	[sflag:s17] =	ssyncset.done $0x0  }
0x11c: {  	s24 =	simm.s32 $0xEE00;
	[sflag:s17] =	ssyncadd.s32 $0xFFFF9200;
	s26 =	simm.s32 $0x280  }
0x11d: {  	_ =	sfence.sel $0x180000  }
0x11e: {  	[bflag:$0x0] =	sbarrier.arrive $0xFFFF  }
0x11f: {  	_ =	strace $0x90000047  }
0x120: {  	s0 =	stileid.u32;
	[bflag:$0x2] =	sbarrier.arrive $0xFFFF  }
0x121: {  	p0 =	sne.s32 s0, $0x0;
	s0 =	rddreg [dreg:$0x2]  }
0x122: {  	s0 =	sadd.s32 @!p0 $0x100000, s0  }
0x123: {  	[sflag:s0] =	ssyncadd.tile.s32 @!p0 $0x1;
	_ =	shalt  }
.Lfunc_end2:
_tile_overlayer_lowered:
.L_overlay_start_2:
0x124: {  	(tag) =	ssettag $0x2  }
0x125: {  	s0 =	rddreg [dreg:$0x0];
	s2 =	stileid.u32  }
0x126: {  	s1 =	rddreg [dreg:$0x1];
	p0 =	sne.s32 s2, $0x0  }
0x127: {  	s3 =	rddreg [dreg:$0x2];
	[bflag:$0x3] =	sbarrier.arrive $0xFFFF;
	s2 =	simm.s32 @!p0 $0x1C09  }
0x128: {  	[timem:s3], [sflag:s2] =	dma.local @!p0 [hbm:s0], s1  }
0x129: {  	s0 =	simm.s32 @!p0 $0x9  }
0x12a: {  	_ =	swait.ge @!p0 [sflag:s0], s1  }
0x12b: {  	s1 =	ssub.s32 @!p0 $0x0, s1;
	[sflag:s0] =	ssyncset.done @!p0 $0x0  }
0x12c: {  	[sflag:s0] =	ssyncadd.s32 @!p0 s1  }
0x12d: {  	[bflag:$0x3] =	sbarrier.arrive $0xFFFF  }
0x12e: {  	_ =	shalt  }

// kernel: sparse-core-data-format-call.cloned.1.call-start
scs
called_computation_lowered:
.L_overlay_start_0:
0x0: {  	s2 =	sld [smem:$0x3FD9]  }
0x1: {  	s3 =	sld [smem:$0x3FFE];
	_ =	sdelay $0x1  }
0x2: {  	s1 =	srdreg.scid  }
0x3: {  	s0 =	sand.u32 $0x1, s1  }
0x4: {  	s18 =	sshll.u32 s0, $0xA;
	s2 =	sadd.s32 s3, s2  }
0x5: {  	s2 =	sadd.s32 s2, s18  }
0x6: {  	[smem:$0x3FC5] =	sst s2  }
0x7: {  	_ = 	snop  }
0x8: {  	s2 =	sld [smem:$0x3FD0];
	(tm) =	ssettm $0x1  }
0x9: {  	s19 =	sld [smem:$0x3FFB];
	_ =	sdelay $0x3  }
0xa: {  	_ =	strace s19  }
0xb: {  	s3 =	sld [smem:$0x3FFC];
	_ =	sdelay $0x3  }
0xc: {  	_ =	strace s3  }
0xd: {  	s3 =	sld [smem:$0x3FFD];
	_ =	sdelay $0x3  }
0xe: {  	_ =	strace s3  }
0xf: {  	_ =	strace $0x8FFFFFFF  }
0x10: {  	s20 =	sld [smem:$0x3FDB];
	_ =	sdelay $0x1  }
0x11: {  	s4 =	simm.s32 $_scs_section_size  }
0x12: {  	s5 =	simm.s32 $_size__tile_overlayer_lowered;
	s6 =	simm.s32 $_tile_overlayer_lowered  }
0x13: {  	s23 =	simm.s32 $0x1BFF;
	s22 =	sshll.u32 s6, $0x1;
	s3 =	sadd.s32 s4, s20  }
0x14: {  	s7 =	simm.s32 $0x0;
	s21 =	sshll.u32 s5, $0x1;
	s5 =	sadd.s32 s22, s3  }
0x15: {  	[timem:s7], [sflag:s23] =	dma.local [hbm:s5], s21  }
0x16: {  	_ =	swait.ge [sflag:s23], s21  }
0x17: {  	s4 =	ssub.s32 $0x0, s21;
	[sflag:s23] =	ssyncset.done $0x0  }
0x18: {  	[sflag:s23] =	ssyncadd.s32 s4;
	_ =	sdelay $0x1  }
0x19: {  	s24 =	simm.s32 $0x1B8B  }
0x1a: {  	_ =	swait.ge [sflag:s24], $0x1  }
0x1b: {  	[sflag:s24] =	ssyncset.done $0x0  }
0x1c: {  	s26 =	simm.s32 $0x1B8E;
	s25 =	sld [smem:$0x3FFE];
	[sflag:s24] =	ssyncadd.s32 $0xFFFFFFFF  }
0x1d: {  	s27 =	simm.s32 $execute0_lowered;
	[smem:$0x3FD2] =	sst s26  }
0x1e: {  	s5 =	sshll.u32 s27, $0x1;
	_ =	strace $0x80000049;
	[dreg:$0x1] =	wrdreg $0xFFFFFFFF  }
0x1f: {  	s28 =	simm.s32 $_size_execute0_lowered;
	s3 =	sadd.s32 s3, s5;
	[dreg:$0x0] =	wrdreg $0x0  }
0x20: {  	s5 =	sshll.u32 s28, $0x1;
	[dreg:$0x2] =	wrdreg s3  }
0x21: {  	[dreg:$0x3] =	wrdreg s5  }
0x22: {  	[dreg:$0x4] =	wrdreg $0xC0  }
0x23: {  	_ =	task [dreg:s7], $0x5FFFF  }
0x24: {  	[dreg:$0x1] =	wrdreg $0xFFFFFFFF  }
0x25: {  	[dreg:$0x0] =	wrdreg $0x60  }
0x26: {  	[dreg:$0x2] =	wrdreg s25  }
0x27: {  	[dreg:$0x3] =	wrdreg s2  }
0x28: {  	[dreg:$0x4] =	wrdreg $0x9  }
0x29: {  	_ =	task.clear_ibuf [dreg:s7], $0x5FFFF;
	_ =	strace $0x90000049  }
0x2a: {  	s29 =	simm.s32 $0x9;
	_ =	strace $0x8000004B  }
0x2b: {  	_ =	swait.ge [sflag:s29], $0x1  }
0x2c: {  	[sflag:s29] =	ssyncadd.s32 $0xFFFFFFFF  }
0x2d: {  	_ =	strace $0x9000004B  }
0x2e: {  	_ =	sfence  }
0x2f: {  	s30 =	sld [smem:$0x0];
	_ =	sdelay $0x2  }
0x30: {  	s31 =	sshll.u32 s1, $0xD;
	s1 =	sshrl.u32 s1, $0x2  }
0x31: {  	s3 =	sand.u32 $0x4000, s31;
	s1 =	sadd.s32 s1, s30  }
0x32: {  	s0 =	sor.u32 s3, s0;
	s1 =	sshll.u32 s1, $0x11  }
0x33: {  	s0 =	sor.u32 s1, s0  }
0x34: {  	s0 =	sadd.s32 $0x8F2B, s0  }
0x35: {  	[sflag:s0] =	ssyncadd.remote.s32 $0x1  }
0x36: {  	_ =	sfence.sel $0xFFFF  }
0x37: {  	[dreg:$0x0] =	wrdreg $0xFFFFFFFF;
	(pc) =	sbr.abs _section_cstart, $3  }
0x38: {  	[dreg:$0x1] =	wrdreg $0xFFFFFFFF  }
0x39: {  	_ =	task.clear_ibuf [dreg:s7], $0x2FFFF;
	_ =	strace $0x9FFFFFFF  }
0x3a: {  	(tm) =	ssettm $0x7FFFFFFF  }
0x3b: {  	_ =	shalt  }
tec
execute0_lowered:
.L_overlay_start_1:
0x0: {  	(tag) =	ssettag $0x1  }
0x1: {  	s0 =	stileid.u32;
	s6 =	rddreg [dreg:$0x0]  }
0x2: {  	s2 =	rddreg [dreg:$0x1];
	s5 =	srdreg.scid  }
0x3: {  	s31 =	simm.s32 $0x2;
	s13 =	simm.s32 $0x0;
	s1 =	sshll.u32 s0, $0x7  }
0x4: {  	s14 =	simm.s32 $0x0;
	s12 =	simm.s32 $0x0;
	s3 =	sand.u32 $0x380, s1  }
0x5: {  	s5 =	sshll.u32 s5, $0x4;
	s6 =	sadd.s32 $0xE00, s6;
	s4 =	ssub.s32 $0x400, s3  }
0x6: {  	s1 =	rddreg [dreg:$0x2];
	_ =	strace $0x8000004A;
	s7 =	sand.u32 $0x380, s4  }
0x7: {  	s5 =	sand.u32 $0x10, s5;
	p0 =	sne.s32 s7, $0x0;
	s7 =	simm.s32 $0x1  }
.Ltmp0:
0x8: {  	s8 =	sshrl.u32 s4, $0xA;
	s7 =	simm.s32 @!p0 $0x0;
	(pc) =	sbr.rel .LBB1_1-.Ltmp0, $4  }
0x9: {  	s9 =	sor.u32 s0, s5;
	s4 =	simm.s32 $0x1;
	s30 =	sadd.s32 s7, s8  }
0xa: {  	s11 =	smov.u32 s3;
	[sflag:s4] =	ssyncpa.u1 $0x0;
	s5 =	smul.u32 $0x37, s30  }
0xb: {  	[sflag:s31] =	ssyncpa.u1 $0x0;
	p0 =	por $0x0, $0x0;
	s7 =	sshrl.u32 s9, $0x3  }
0xc: {  	s9 =	simm.s32 $0x2000;
	s10 =	smov.u32 s7;
	s8 =	sadd.s32 $0x1, s5  }
.LBB1_4:
0xd: {  	s17 =	sand.u32 $0x1F80, s14;
	s13 =	sshll.u32 s13, $0xD  }
0xe: {  	[tilespmem:s16+$0x810 ss:$0x81] =	vst.msk $0xffff, v2;
	s18 =	sshrl.u32 s14, $0x3;
	s31 =	sand.u32 $0x7, s14;
	s17 =	sadd.s32 s2, s17  }
0xf: {  	[tilespmem:s16+$0x1020 ss:$0x81] =	vst.msk $0xffff, v0;
	s18 =	sand.u32 $0xF, s18;
	s14 =	sshll.u32 s31, $0x12;
	s13 =	sadd.s32 s13, s17  }
0x10: {  	[tilespmem:s16+$0x0 ss:$0x81] =	vst.msk $0xffff, v1;
	s14 =	sor.u32 $0x400, s14;
	s13 =	sadd.s32 s18, s13  }
0x11: {  	[hbm4b:s13+s14] =	stream.strided.scatter [tilespmem:s15], [sflag:$0x2], $0x2000, s9, s14, $0x20;
	[tilespmem:$0x8080] =	vst v63  }
.LBB1_5:
0x12: {  	s15 =	sadd.s32 $0x4, s10  }
0x13: {  	s13 =	sadd.s32 $0x400, s11;
	s17 =	smov.u32 s11;
	p2 =	sgt.s32 s15, $0xDB  }
0x14: {  	s17 =	smov.u32 @p2 s13  }
0x15: {  	s15 =	smov.u32 @p2 s7;
	p2 =	sgt.s32 s17, $0x3FF  }
0x16: {  	s17 =	smov.u32 @p2 s3;
	p2 =	sne.s32 s12, s8  }
.Ltmp1:
0x17: {  	p1 =	slt.u32 s12, $0x2;
	(pc) =	sbr.rel @!p2 .LBB1_6-.Ltmp1, $4  }
0x18: {  	s16 =	simm.s32 @!p1 $0x2  }
0x19: {  	s14 =	smov.u32 s11;
	p0 =	por !p0, !p0;
	_ =	swait.ge @!p1 [sflag:s16], $0x2000  }
0x1a: {  	s13 =	smov.u32 s10;
	[sflag:s16] =	ssyncset.done @!p1 $0x0;
	s10 =	smov.u32 s15  }
0x1b: {  	s12 =	sadd.s32 $0x1, s12;
	[sflag:s16] =	ssyncadd.s32 @!p1 $0xFFFFE000;
	s11 =	smov.u32 s17  }
.LBB1_1:
0x1c: {  	p1 =	sge.u32 s12, s5  }
0x1d: {  	s15 =	sand.u32 @!p1 $0x1FFFFFF, s10  }
0x1e: {  	s16 =	smulhi.u32 @!p1 $0x2492493, s15;
	_ =	sdelay $0x1  }
0x1f: {  	s16 =	sshrl.u32 @!p1 s16, $0x1  }
0x20: {  	s16 =	smul.u32 @!p1 $0xE0, s16  }
0x21: {  	s17 =	sxor.u32 @!p1 $0xFFFFFFFF, s12;
	s18 =	smul.u32 @!p1 $0xE00, s11  }
0x22: {  	s31 =	sadd.s32 $0xFFFFFFFF, s12;
	s17 =	sshll.u32 @!p1 s17, $0xD;
	s15 =	ssub.s32 @!p1 s15, s16  }
0x23: {  	s16 =	sand.u32 @!p1 $0x2000, s17;
	s17 =	sadd.s32 @!p1 s6, s18;
	s15 =	sshll.u32 @!p1 s15, $0x4  }
0x24: {  	s18 =	simm.s32 @!p1 $0x7000;
	s15 =	sadd.s32 @!p1 s15, s17;
	s17 =	simm.s32 @!p1 $0x40  }
0x25: {  	[tilespmem:s16], [sflag:$0x1] =	stream.strided.gather @!p1 [hbm4b:s15+s17], $0x2000, s18, s17, $0x38;
	[tilespmem:$0x8080] =	vst v63  }
0x26: {  	p1 =	sge.u32 s31, s5  }
.Ltmp2:
0x27: {  	_ = 	snop;
	(pc) =	sbr.rel @p1 .LBB1_5-.Ltmp2, $1  }
0x28: {  	_ =	sdelay $0x3  }
0x29: {  	s15 =	simm.s32 $0x1  }
0x2a: {  	_ =	swait.ge [sflag:s4], $0x2000;
	s15 =	simm.s32 @!p0 $0x0  }
0x2b: {  	[sflag:s4] =	ssyncset.done $0x0;
	s16 =	sshll.u32 s15, $0xD  }
0x2c: {  	[sflag:s4] =	ssyncadd.s32 $0xFFFFE000;
	s19 =	sor.u32 $0x20, s16  }
0x2d: {  	s15 =	smul.u32 $0x8100, s15;
	v3 =	vld [tilespmem:s19+$0x10]  }
0x2e: {  	s30 =	sand.u32 $0x1, s12;
	v2 =	vld [tilespmem:s19+$0xFFFFFFF0]  }
0x2f: {  	s16 =	smul.u32 $0x8100, s30;
	s15 =	sshrl.u32 s15, $0x2;
	v0 =	vld [tilespmem:s19+$0x0]  }
0x30: {  	v1 =	vld [tilespmem:s19+$0xFFFFFFE0];
	s17 =	sor.u32 $0x4000, s15  }
0x31: {  	s31 =	sshrl.u32 s16, $0x2;
	s16 =	sadd.s32 $0x0, s17  }
0x32: {  	s18 =	simm.s32 $0x4;
	s19 =	sadd.s32 $0x40, s19;
	s15 =	sor.u32 $0x4000, s31;
	[tilespmem:s16+$0x1830 ss:$0x81] =	vst.msk $0xffff, v3  }
.LBB1_3:
0x33: {  	v3 =	vld [tilespmem:s19+$0x10];
	p1 =	sne.s32 s18, $0x1FC;
	[tilespmem:s16+$0x810 ss:$0x81] =	vst.msk $0xffff, v2;
	s20 =	smov.u32 s18;
	s18 =	sadd.s32 $0x4, s18  }
.Ltmp3:
0x34: {  	v2 =	vld [tilespmem:s19+$0xFFFFFFF0];
	[tilespmem:s16+$0x1020 ss:$0x81] =	vst.msk $0xffff, v0;
	(pc) =	sbr.rel @p1 .LBB1_3-.Ltmp3, $4  }
0x35: {  	v0 =	vld [tilespmem:s19+$0x0];
	[tilespmem:s16+$0x0 ss:$0x81] =	vst.msk $0xffff, v1  }
0x36: {  	s16 =	sshra.s32 s20, $0x2;
	v1 =	vld [tilespmem:s19+$0xFFFFFFE0]  }
0x37: {  	s16 =	sadd.s32 s16, s17  }
0x38: {  	s19 =	sadd.s32 $0x40, s19;
	[tilespmem:s16+$0x1830 ss:$0x81] =	vst.msk $0xffff, v3  }
.Ltmp4:
0x39: {  	_ = 	snop;
	(pc) =	sbr.rel .LBB1_4-.Ltmp4, $1  }
0x3a: {  	_ =	sdelay $0x3  }
.LBB1_6:
0x3b: {  	_ =	sfence.sel $0x180000  }
0x3c: {  	s2 =	simm.s32 $0x1;
	[bflag:$0x0] =	sbarrier.arrive $0xFFFF  }
0x3d: {  	s31 =	simm.s32 $0x2;
	[sflag:s2] =	ssyncpa.u1 $0x1  }
0x3e: {  	[sflag:s31] =	ssyncpa.u1 $0x1  }
0x3f: {  	p0 =	sne.s32 s0, $0x0;
	_ =	strace $0x9000004A  }
0x40: {  	s0 =	sadd.s32 @!p0 $0x100000, s1;
	[bflag:$0x2] =	sbarrier.arrive $0xFFFF  }
0x41: {  	[sflag:s0] =	ssyncadd.tile.s32 @!p0 $0x1;
	_ =	shalt  }
.Lfunc_end1:
_tile_overlayer_lowered:
.L_overlay_start_2:
0x42: {  	(tag) =	ssettag $0x2  }
0x43: {  	s0 =	rddreg [dreg:$0x0];
	s2 =	stileid.u32  }
0x44: {  	s1 =	rddreg [dreg:$0x1];
	p0 =	sne.s32 s2, $0x0  }
0x45: {  	s3 =	rddreg [dreg:$0x2];
	[bflag:$0x3] =	sbarrier.arrive $0xFFFF;
	s2 =	simm.s32 @!p0 $0x1C01  }
0x46: {  	[timem:s3], [sflag:s2] =	dma.local @!p0 [hbm:s0], s1  }
0x47: {  	s0 =	simm.s32 @!p0 $0x1  }
0x48: {  	_ =	swait.ge @!p0 [sflag:s0], s1  }
0x49: {  	s1 =	ssub.s32 @!p0 $0x0, s1;
	[sflag:s0] =	ssyncset.done @!p0 $0x0  }
0x4a: {  	[sflag:s0] =	ssyncadd.s32 @!p0 s1  }
0x4b: {  	[bflag:$0x3] =	sbarrier.arrive $0xFFFF  }
0x4c: {  	_ =	shalt  }

</sc_bundles>
